<compile_context>
chip_gen: v7x
topology: tpu7x:2x2x1
jax: 0.10.2.dev20260603
libtpu: 0.0.44.dev20260713+nightly
codegen_flags: <defaults>
</compile_context>

<pallas_src>
import functools

import jax
import jax.numpy as jnp
from jax import lax
from jax.experimental import pallas as pl
from jax.experimental.pallas import tpu as pltpu
from jax.experimental.pallas import tpu_sc as plsc

MAXD = 128
NT = 2 * MAXD + 1
SEQ = 512
DIM = 128

_NC = 2
_NS = 16
_NW = _NC * _NS
_RPW = SEQ // _NW
_STAGE = 528


def _table_body(dist_ref, dir_ref, w_ref, b_ref, out_ref):
    dist = dist_ref[...]
    wt = w_ref[0:DIM, :]
    wb = w_ref[DIM:2 * DIM, :]
    t_dist = jnp.dot(dist, wt, preferred_element_type=jnp.float32)
    dv = jnp.dot(dir_ref[...], wb, preferred_element_type=jnp.float32)
    k = lax.broadcasted_iota(jnp.int32, (NT, 1), 0)
    dcon = jnp.where(k < MAXD, dv[0:1, :],
                     jnp.where(k == MAXD, dv[1:2, :], dv[2:3, :]))
    t = t_dist + dcon + b_ref[...]

    m = lax.broadcasted_iota(jnp.int32, (1024, NT), 0)
    kk = lax.broadcasted_iota(jnp.int32, (1024, NT), 1)
    idx = jnp.clip(639 - m, 0, NT - 1)
    onehot = (kk == idx).astype(jnp.float32)
    out_ref[...] = jnp.dot(onehot, t, preferred_element_type=jnp.float32)


def _make_hrev(dist_table, dir_table, fusion_W, fusion_b2d):
    return pl.pallas_call(
        _table_body,
        out_shape=jax.ShapeDtypeStruct((1024, DIM), jnp.float32),
    )(dist_table, dir_table, fusion_W, fusion_b2d)


@functools.cache
def _make_broadcast():
    @functools.partial(
        pl.kernel,
        out_type=jax.ShapeDtypeStruct((SEQ, SEQ, DIM), jnp.float32),
        mesh=plsc.VectorSubcoreMesh(core_axis_name="c", subcore_axis_name="s"),
        scratch_types=[
            pltpu.VMEM((_STAGE, DIM), jnp.float32),
            pltpu.SemaphoreType.DMA,
        ],
    )
    def _broadcast(hrev_hbm, out_hbm, stage_v, sem):
        wid = lax.axis_index("s") * _NC + lax.axis_index("c")
        base = wid * _RPW
        pltpu.sync_copy(hrev_hbm.at[pl.ds(496 - base, _STAGE)], stage_v)
        copies = [
            pltpu.async_copy(stage_v.at[pl.ds(_RPW - 1 - t, SEQ)],
                             out_hbm.at[base + t], sem)
            for t in range(_RPW)
        ]
        for c in copies:
            c.wait()

    return _broadcast


def kernel(x, dist_table, dir_table, fusion_W, fusion_b):
    hrev = _make_hrev(dist_table, dir_table, fusion_W,
                      fusion_b.reshape(1, DIM))
    out = _make_broadcast()(hrev)
    return out.reshape(1, SEQ, SEQ, DIM)

# --- scband reference (transcript-rebuilt; emitter-appended) ---
"""Pipeline reference for scband-relational-position-learner-22265110463265 (READ-ONLY COPY).

The authoritative reference and input builder live on the scoring server;
editing this copy changes nothing except your own understanding.
"""

import jax, jax.numpy as jnp
import numpy as np

MAX_DISTANCE = 128
DIM = 128

def setup_inputs(seed: int = 0) -> dict:
    key = jax.random.key(seed)
    k1, k2, k3, k4, k5 = jax.random.split(key, 5)
    x = jax.random.normal(k1, (1, 512, DIM), dtype=jnp.float32)
    # learned parameters
    dist_table = jax.random.normal(k2, (MAX_DISTANCE * 2 + 1, DIM), dtype=jnp.float32) * 0.02
    dir_table = jax.random.normal(k3, (3, DIM), dtype=jnp.float32) * 0.02
    # fusion Linear(dim*2 -> dim); stored as (in, out) for combined @ W
    fusion_W = jax.random.normal(k4, (DIM * 2, DIM), dtype=jnp.float32) * (1.0 / np.sqrt(DIM * 2))
    fusion_b = jax.random.normal(k5, (DIM,), dtype=jnp.float32) * 0.01
    return {"x": x, "dist_table": dist_table, "dir_table": dir_table, "fusion_W": fusion_W, "fusion_b": fusion_b}

def reference(x, dist_table, dir_table, fusion_W, fusion_b):
    batch, seq_len, dim = x.shape
    positions = jnp.broadcast_to(jnp.arange(seq_len)[None, :], (batch, seq_len))
    rel_dist = positions[:, :, None] - positions[:, None, :]  # (B, S, S)
    rel_dist_clamped = jnp.clip(rel_dist, -MAX_DISTANCE, MAX_DISTANCE)
    rel_dist_idx = (rel_dist_clamped + MAX_DISTANCE).astype(jnp.int32)
    dist_emb = jnp.take(dist_table, rel_dist_idx, axis=0)  # (B, S, S, dim)
    direction = (jnp.sign(rel_dist) + 1).astype(jnp.int32)  # values in {0,1,2}
    dir_emb = jnp.take(dir_table, direction, axis=0)  # (B, S, S, dim)
    combined = jnp.concatenate([dist_emb, dir_emb], axis=-1)  # (B, S, S, 2*dim)
    position_bias = combined @ fusion_W + fusion_b  # (B, S, S, dim)
    return position_bias

if __name__ == "__main__":
    import jax
    _d = setup_inputs()
    print(jax.jit(kernel)(*tuple(_d.values())))

</pallas_src>

<mosaic_0001>
#map = affine_map<(d0, d1) -> (0, 0)>
#map1 = affine_map<(d0, d1) -> (0, 0, 0)>
module attributes {stable_mosaic.version = 14 : i64} {
  func.func @_broadcast(%arg0: i32, %arg1: i32, %arg2: memref<1024x128xf32, #tpu.memory_space<hbm>>, %arg3: memref<512x512x128xf32, #tpu.memory_space<hbm>>, %arg4: memref<528x128xf32, #tpu.memory_space<vmem>>, %arg5: memref<!tpu.dma_semaphore, #tpu.memory_space<semaphore_mem>>) attributes {dimension_semantics = [#tpu.dimension_semantics<core_parallel>, #tpu.dimension_semantics<subcore_parallel>], iteration_bounds = array<i64: 2, 16>, scalar_prefetch = 0 : i64, scratch_operands = 2 : i64, tpu.core_type = #tpu.core_type<sc_vector_subcore>, window_params = [{transform_indices = #map}, {transform_indices = #map1}]} {
    %mul3A = arith.constant 2 : i32
    %mul3A_0 = arith.muli %arg1, %mul3A : i32
    %add3A = arith.addi %mul3A_0, %arg0 : i32
    %mul3A_1 = arith.constant 16 : i32
    %mul3A_2 = arith.muli %add3A, %mul3A_1 : i32
    %sub3A = arith.constant 496 : i32
    %sub3A_3 = arith.subi %sub3A, %mul3A_2 : i32
    "tpu.region"() ({
      %run_scoped3A = tpu.sem_alloc : memref<!tpu.dma_semaphore, #tpu.memory_space<semaphore_mem>>
      %dma_start3A_482 = arith.constant 0 : i32
      %dma_start3A_483 = tpu.memref_slice %arg2[%sub3A_3, %dma_start3A_482] : memref<1024x128xf32, #tpu.memory_space<hbm>> -> memref<528x128xf32, #tpu.memory_space<hbm>>
      %dma_start3A_484 = arith.constant 0 : i32
      %dma_start3A_485 = tpu.memref_slice %arg2[%sub3A_3, %dma_start3A_484] : memref<1024x128xf32, #tpu.memory_space<hbm>> -> memref<528x128xf32, #tpu.memory_space<hbm>>
      tpu.enqueue_dma source(%dma_start3A_485 : memref<528x128xf32, #tpu.memory_space<hbm>>) target(%arg4 : memref<528x128xf32, #tpu.memory_space<vmem>>) target_semaphore(%run_scoped3A : memref<!tpu.dma_semaphore, #tpu.memory_space<semaphore_mem>>)
      %dma_wait3A_486 = arith.constant 0 : i32
      %dma_wait3A_487 = tpu.memref_slice %arg2[%sub3A_3, %dma_wait3A_486] : memref<1024x128xf32, #tpu.memory_space<hbm>> -> memref<528x128xf32, #tpu.memory_space<hbm>>
      %dma_wait3A_488 = arith.constant 0 : i32
      %dma_wait3A_489 = tpu.memref_slice %arg2[%sub3A_3, %dma_wait3A_488] : memref<1024x128xf32, #tpu.memory_space<hbm>> -> memref<528x128xf32, #tpu.memory_space<hbm>>
      tpu.wait_dma2 semaphore(%run_scoped3A : memref<!tpu.dma_semaphore, #tpu.memory_space<semaphore_mem>>) src(%dma_wait3A_489 : memref<528x128xf32, #tpu.memory_space<hbm>>) dst(%arg4 : memref<528x128xf32, #tpu.memory_space<vmem>>)
      tpu.yield
    }) : () -> ()
    %add3A_4 = arith.constant 0 : i32
    %add3A_5 = arith.addi %mul3A_2, %add3A_4 : i32
    %dma_start3A = arith.constant 15 : i32
    %dma_start3A_6 = arith.constant 0 : i32
    %dma_start3A_7 = tpu.memref_slice %arg4[%dma_start3A, %dma_start3A_6] : memref<528x128xf32, #tpu.memory_space<vmem>> -> memref<512x128xf32, #tpu.memory_space<vmem>>
    %dma_start3A_8 = arith.constant 0 : i32
    %dma_start3A_9 = arith.constant 0 : i32
    %dma_start3A_10 = tpu.memref_slice %arg3[%add3A_5, %dma_start3A_8, %dma_start3A_9] : memref<512x512x128xf32, #tpu.memory_space<hbm>> -> memref<1x512x128xf32, #tpu.memory_space<hbm>>
    %dma_start3A_11 = tpu.memref_squeeze %dma_start3A_10 : memref<1x512x128xf32, #tpu.memory_space<hbm>> -> memref<512x128xf32, #tpu.memory_space<hbm>>
    %dma_start3A_12 = arith.constant 0 : i32
    %dma_start3A_13 = arith.constant 0 : i32
    %dma_start3A_14 = tpu.memref_slice %arg3[%add3A_5, %dma_start3A_12, %dma_start3A_13] : memref<512x512x128xf32, #tpu.memory_space<hbm>> -> memref<1x512x128xf32, #tpu.memory_space<hbm>>
    %dma_start3A_15 = tpu.memref_squeeze %dma_start3A_14 : memref<1x512x128xf32, #tpu.memory_space<hbm>> -> memref<512x128xf32, #tpu.memory_space<hbm>>
    %dma_start3A_16 = arith.constant 15 : i32
    %dma_start3A_17 = arith.constant 0 : i32
    %dma_start3A_18 = tpu.memref_slice %arg4[%dma_start3A_16, %dma_start3A_17] : memref<528x128xf32, #tpu.memory_space<vmem>> -> memref<512x128xf32, #tpu.memory_space<vmem>>
    tpu.enqueue_dma source(%dma_start3A_18 : memref<512x128xf32, #tpu.memory_space<vmem>>) target(%dma_start3A_15 : memref<512x128xf32, #tpu.memory_space<hbm>>) target_semaphore(%arg5 : memref<!tpu.dma_semaphore, #tpu.memory_space<semaphore_mem>>)
    %add3A_19 = arith.constant 1 : i32
    %add3A_20 = arith.addi %mul3A_2, %add3A_19 : i32
    %dma_start3A_21 = arith.constant 14 : i32
    %dma_start3A_22 = arith.constant 0 : i32
    %dma_start3A_23 = tpu.memref_slice %arg4[%dma_start3A_21, %dma_start3A_22] : memref<528x128xf32, #tpu.memory_space<vmem>> -> memref<512x128xf32, #tpu.memory_space<vmem>>
    %dma_start3A_24 = arith.constant 0 : i32
    %dma_start3A_25 = arith.constant 0 : i32
    %dma_start3A_26 = tpu.memref_slice %arg3[%add3A_20, %dma_start3A_24, %dma_start3A_25] : memref<512x512x128xf32, #tpu.memory_space<hbm>> -> memref<1x512x128xf32, #tpu.memory_space<hbm>>
    %dma_start3A_27 = tpu.memref_squeeze %dma_start3A_26 : memref<1x512x128xf32, #tpu.memory_space<hbm>> -> memref<512x128xf32, #tpu.memory_space<hbm>>
    %dma_start3A_28 = arith.constant 0 : i32
    %dma_start3A_29 = arith.constant 0 : i32
    %dma_start3A_30 = tpu.memref_slice %arg3[%add3A_20, %dma_start3A_28, %dma_start3A_29] : memref<512x512x128xf32, #tpu.memory_space<hbm>> -> memref<1x512x128xf32, #tpu.memory_space<hbm>>
    %dma_start3A_31 = tpu.memref_squeeze %dma_start3A_30 : memref<1x512x128xf32, #tpu.memory_space<hbm>> -> memref<512x128xf32, #tpu.memory_space<hbm>>
    %dma_start3A_32 = arith.constant 14 : i32
    %dma_start3A_33 = arith.constant 0 : i32
    %dma_start3A_34 = tpu.memref_slice %arg4[%dma_start3A_32, %dma_start3A_33] : memref<528x128xf32, #tpu.memory_space<vmem>> -> memref<512x128xf32, #tpu.memory_space<vmem>>
    tpu.enqueue_dma source(%dma_start3A_34 : memref<512x128xf32, #tpu.memory_space<vmem>>) target(%dma_start3A_31 : memref<512x128xf32, #tpu.memory_space<hbm>>) target_semaphore(%arg5 : memref<!tpu.dma_semaphore, #tpu.memory_space<semaphore_mem>>)
    %add3A_35 = arith.constant 2 : i32
    %add3A_36 = arith.addi %mul3A_2, %add3A_35 : i32
    %dma_start3A_37 = arith.constant 13 : i32
    %dma_start3A_38 = arith.constant 0 : i32
    %dma_start3A_39 = tpu.memref_slice %arg4[%dma_start3A_37, %dma_start3A_38] : memref<528x128xf32, #tpu.memory_space<vmem>> -> memref<512x128xf32, #tpu.memory_space<vmem>>
    %dma_start3A_40 = arith.constant 0 : i32
    %dma_start3A_41 = arith.constant 0 : i32
    %dma_start3A_42 = tpu.memref_slice %arg3[%add3A_36, %dma_start3A_40, %dma_start3A_41] : memref<512x512x128xf32, #tpu.memory_space<hbm>> -> memref<1x512x128xf32, #tpu.memory_space<hbm>>
    %dma_start3A_43 = tpu.memref_squeeze %dma_start3A_42 : memref<1x512x128xf32, #tpu.memory_space<hbm>> -> memref<512x128xf32, #tpu.memory_space<hbm>>
    %dma_start3A_44 = arith.constant 0 : i32
    %dma_start3A_45 = arith.constant 0 : i32
    %dma_start3A_46 = tpu.memref_slice %arg3[%add3A_36, %dma_start3A_44, %dma_start3A_45] : memref<512x512x128xf32, #tpu.memory_space<hbm>> -> memref<1x512x128xf32, #tpu.memory_space<hbm>>
    %dma_start3A_47 = tpu.memref_squeeze %dma_start3A_46 : memref<1x512x128xf32, #tpu.memory_space<hbm>> -> memref<512x128xf32, #tpu.memory_space<hbm>>
    %dma_start3A_48 = arith.constant 13 : i32
    %dma_start3A_49 = arith.constant 0 : i32
    %dma_start3A_50 = tpu.memref_slice %arg4[%dma_start3A_48, %dma_start3A_49] : memref<528x128xf32, #tpu.memory_space<vmem>> -> memref<512x128xf32, #tpu.memory_space<vmem>>
    tpu.enqueue_dma source(%dma_start3A_50 : memref<512x128xf32, #tpu.memory_space<vmem>>) target(%dma_start3A_47 : memref<512x128xf32, #tpu.memory_space<hbm>>) target_semaphore(%arg5 : memref<!tpu.dma_semaphore, #tpu.memory_space<semaphore_mem>>)
    %add3A_51 = arith.constant 3 : i32
    %add3A_52 = arith.addi %mul3A_2, %add3A_51 : i32
    %dma_start3A_53 = arith.constant 12 : i32
    %dma_start3A_54 = arith.constant 0 : i32
    %dma_start3A_55 = tpu.memref_slice %arg4[%dma_start3A_53, %dma_start3A_54] : memref<528x128xf32, #tpu.memory_space<vmem>> -> memref<512x128xf32, #tpu.memory_space<vmem>>
    %dma_start3A_56 = arith.constant 0 : i32
    %dma_start3A_57 = arith.constant 0 : i32
    %dma_start3A_58 = tpu.memref_slice %arg3[%add3A_52, %dma_start3A_56, %dma_start3A_57] : memref<512x512x128xf32, #tpu.memory_space<hbm>> -> memref<1x512x128xf32, #tpu.memory_space<hbm>>
    %dma_start3A_59 = tpu.memref_squeeze %dma_start3A_58 : memref<1x512x128xf32, #tpu.memory_space<hbm>> -> memref<512x128xf32, #tpu.memory_space<hbm>>
    %dma_start3A_60 = arith.constant 0 : i32
    %dma_start3A_61 = arith.constant 0 : i32
    %dma_start3A_62 = tpu.memref_slice %arg3[%add3A_52, %dma_start3A_60, %dma_start3A_61] : memref<512x512x128xf32, #tpu.memory_space<hbm>> -> memref<1x512x128xf32, #tpu.memory_space<hbm>>
    %dma_start3A_63 = tpu.memref_squeeze %dma_start3A_62 : memref<1x512x128xf32, #tpu.memory_space<hbm>> -> memref<512x128xf32, #tpu.memory_space<hbm>>
    %dma_start3A_64 = arith.constant 12 : i32
    %dma_start3A_65 = arith.constant 0 : i32
    %dma_start3A_66 = tpu.memref_slice %arg4[%dma_start3A_64, %dma_start3A_65] : memref<528x128xf32, #tpu.memory_space<vmem>> -> memref<512x128xf32, #tpu.memory_space<vmem>>
    tpu.enqueue_dma source(%dma_start3A_66 : memref<512x128xf32, #tpu.memory_space<vmem>>) target(%dma_start3A_63 : memref<512x128xf32, #tpu.memory_space<hbm>>) target_semaphore(%arg5 : memref<!tpu.dma_semaphore, #tpu.memory_space<semaphore_mem>>)
    %add3A_67 = arith.constant 4 : i32
    %add3A_68 = arith.addi %mul3A_2, %add3A_67 : i32
    %dma_start3A_69 = arith.constant 11 : i32
    %dma_start3A_70 = arith.constant 0 : i32
    %dma_start3A_71 = tpu.memref_slice %arg4[%dma_start3A_69, %dma_start3A_70] : memref<528x128xf32, #tpu.memory_space<vmem>> -> memref<512x128xf32, #tpu.memory_space<vmem>>
    %dma_start3A_72 = arith.constant 0 : i32
    %dma_start3A_73 = arith.constant 0 : i32
    %dma_start3A_74 = tpu.memref_slice %arg3[%add3A_68, %dma_start3A_72, %dma_start3A_73] : memref<512x512x128xf32, #tpu.memory_space<hbm>> -> memref<1x512x128xf32, #tpu.memory_space<hbm>>
    %dma_start3A_75 = tpu.memref_squeeze %dma_start3A_74 : memref<1x512x128xf32, #tpu.memory_space<hbm>> -> memref<512x128xf32, #tpu.memory_space<hbm>>
    %dma_start3A_76 = arith.constant 0 : i32
    %dma_start3A_77 = arith.constant 0 : i32
    %dma_start3A_78 = tpu.memref_slice %arg3[%add3A_68, %dma_start3A_76, %dma_start3A_77] : memref<512x512x128xf32, #tpu.memory_space<hbm>> -> memref<1x512x128xf32, #tpu.memory_space<hbm>>
    %dma_start3A_79 = tpu.memref_squeeze %dma_start3A_78 : memref<1x512x128xf32, #tpu.memory_space<hbm>> -> memref<512x128xf32, #tpu.memory_space<hbm>>
    %dma_start3A_80 = arith.constant 11 : i32
    %dma_start3A_81 = arith.constant 0 : i32
    %dma_start3A_82 = tpu.memref_slice %arg4[%dma_start3A_80, %dma_start3A_81] : memref<528x128xf32, #tpu.memory_space<vmem>> -> memref<512x128xf32, #tpu.memory_space<vmem>>
    tpu.enqueue_dma source(%dma_start3A_82 : memref<512x128xf32, #tpu.memory_space<vmem>>) target(%dma_start3A_79 : memref<512x128xf32, #tpu.memory_space<hbm>>) target_semaphore(%arg5 : memref<!tpu.dma_semaphore, #tpu.memory_space<semaphore_mem>>)
    %add3A_83 = arith.constant 5 : i32
    %add3A_84 = arith.addi %mul3A_2, %add3A_83 : i32
    %dma_start3A_85 = arith.constant 10 : i32
    %dma_start3A_86 = arith.constant 0 : i32
    %dma_start3A_87 = tpu.memref_slice %arg4[%dma_start3A_85, %dma_start3A_86] : memref<528x128xf32, #tpu.memory_space<vmem>> -> memref<512x128xf32, #tpu.memory_space<vmem>>
    %dma_start3A_88 = arith.constant 0 : i32
    %dma_start3A_89 = arith.constant 0 : i32
    %dma_start3A_90 = tpu.memref_slice %arg3[%add3A_84, %dma_start3A_88, %dma_start3A_89] : memref<512x512x128xf32, #tpu.memory_space<hbm>> -> memref<1x512x128xf32, #tpu.memory_space<hbm>>
    %dma_start3A_91 = tpu.memref_squeeze %dma_start3A_90 : memref<1x512x128xf32, #tpu.memory_space<hbm>> -> memref<512x128xf32, #tpu.memory_space<hbm>>
    %dma_start3A_92 = arith.constant 0 : i32
    %dma_start3A_93 = arith.constant 0 : i32
    %dma_start3A_94 = tpu.memref_slice %arg3[%add3A_84, %dma_start3A_92, %dma_start3A_93] : memref<512x512x128xf32, #tpu.memory_space<hbm>> -> memref<1x512x128xf32, #tpu.memory_space<hbm>>
    %dma_start3A_95 = tpu.memref_squeeze %dma_start3A_94 : memref<1x512x128xf32, #tpu.memory_space<hbm>> -> memref<512x128xf32, #tpu.memory_space<hbm>>
    %dma_start3A_96 = arith.constant 10 : i32
    %dma_start3A_97 = arith.constant 0 : i32
    %dma_start3A_98 = tpu.memref_slice %arg4[%dma_start3A_96, %dma_start3A_97] : memref<528x128xf32, #tpu.memory_space<vmem>> -> memref<512x128xf32, #tpu.memory_space<vmem>>
    tpu.enqueue_dma source(%dma_start3A_98 : memref<512x128xf32, #tpu.memory_space<vmem>>) target(%dma_start3A_95 : memref<512x128xf32, #tpu.memory_space<hbm>>) target_semaphore(%arg5 : memref<!tpu.dma_semaphore, #tpu.memory_space<semaphore_mem>>)
    %add3A_99 = arith.constant 6 : i32
    %add3A_100 = arith.addi %mul3A_2, %add3A_99 : i32
    %dma_start3A_101 = arith.constant 9 : i32
    %dma_start3A_102 = arith.constant 0 : i32
    %dma_start3A_103 = tpu.memref_slice %arg4[%dma_start3A_101, %dma_start3A_102] : memref<528x128xf32, #tpu.memory_space<vmem>> -> memref<512x128xf32, #tpu.memory_space<vmem>>
    %dma_start3A_104 = arith.constant 0 : i32
    %dma_start3A_105 = arith.constant 0 : i32
    %dma_start3A_106 = tpu.memref_slice %arg3[%add3A_100, %dma_start3A_104, %dma_start3A_105] : memref<512x512x128xf32, #tpu.memory_space<hbm>> -> memref<1x512x128xf32, #tpu.memory_space<hbm>>
    %dma_start3A_107 = tpu.memref_squeeze %dma_start3A_106 : memref<1x512x128xf32, #tpu.memory_space<hbm>> -> memref<512x128xf32, #tpu.memory_space<hbm>>
    %dma_start3A_108 = arith.constant 0 : i32
    %dma_start3A_109 = arith.constant 0 : i32
    %dma_start3A_110 = tpu.memref_slice %arg3[%add3A_100, %dma_start3A_108, %dma_start3A_109] : memref<512x512x128xf32, #tpu.memory_space<hbm>> -> memref<1x512x128xf32, #tpu.memory_space<hbm>>
    %dma_start3A_111 = tpu.memref_squeeze %dma_start3A_110 : memref<1x512x128xf32, #tpu.memory_space<hbm>> -> memref<512x128xf32, #tpu.memory_space<hbm>>
    %dma_start3A_112 = arith.constant 9 : i32
    %dma_start3A_113 = arith.constant 0 : i32
    %dma_start3A_114 = tpu.memref_slice %arg4[%dma_start3A_112, %dma_start3A_113] : memref<528x128xf32, #tpu.memory_space<vmem>> -> memref<512x128xf32, #tpu.memory_space<vmem>>
    tpu.enqueue_dma source(%dma_start3A_114 : memref<512x128xf32, #tpu.memory_space<vmem>>) target(%dma_start3A_111 : memref<512x128xf32, #tpu.memory_space<hbm>>) target_semaphore(%arg5 : memref<!tpu.dma_semaphore, #tpu.memory_space<semaphore_mem>>)
    %add3A_115 = arith.constant 7 : i32
    %add3A_116 = arith.addi %mul3A_2, %add3A_115 : i32
    %dma_start3A_117 = arith.constant 8 : i32
    %dma_start3A_118 = arith.constant 0 : i32
    %dma_start3A_119 = tpu.memref_slice %arg4[%dma_start3A_117, %dma_start3A_118] : memref<528x128xf32, #tpu.memory_space<vmem>> -> memref<512x128xf32, #tpu.memory_space<vmem>>
    %dma_start3A_120 = arith.constant 0 : i32
    %dma_start3A_121 = arith.constant 0 : i32
    %dma_start3A_122 = tpu.memref_slice %arg3[%add3A_116, %dma_start3A_120, %dma_start3A_121] : memref<512x512x128xf32, #tpu.memory_space<hbm>> -> memref<1x512x128xf32, #tpu.memory_space<hbm>>
    %dma_start3A_123 = tpu.memref_squeeze %dma_start3A_122 : memref<1x512x128xf32, #tpu.memory_space<hbm>> -> memref<512x128xf32, #tpu.memory_space<hbm>>
    %dma_start3A_124 = arith.constant 0 : i32
    %dma_start3A_125 = arith.constant 0 : i32
    %dma_start3A_126 = tpu.memref_slice %arg3[%add3A_116, %dma_start3A_124, %dma_start3A_125] : memref<512x512x128xf32, #tpu.memory_space<hbm>> -> memref<1x512x128xf32, #tpu.memory_space<hbm>>
    %dma_start3A_127 = tpu.memref_squeeze %dma_start3A_126 : memref<1x512x128xf32, #tpu.memory_space<hbm>> -> memref<512x128xf32, #tpu.memory_space<hbm>>
    %dma_start3A_128 = arith.constant 8 : i32
    %dma_start3A_129 = arith.constant 0 : i32
    %dma_start3A_130 = tpu.memref_slice %arg4[%dma_start3A_128, %dma_start3A_129] : memref<528x128xf32, #tpu.memory_space<vmem>> -> memref<512x128xf32, #tpu.memory_space<vmem>>
    tpu.enqueue_dma source(%dma_start3A_130 : memref<512x128xf32, #tpu.memory_space<vmem>>) target(%dma_start3A_127 : memref<512x128xf32, #tpu.memory_space<hbm>>) target_semaphore(%arg5 : memref<!tpu.dma_semaphore, #tpu.memory_space<semaphore_mem>>)
    %add3A_131 = arith.constant 8 : i32
    %add3A_132 = arith.addi %mul3A_2, %add3A_131 : i32
    %dma_start3A_133 = arith.constant 7 : i32
    %dma_start3A_134 = arith.constant 0 : i32
    %dma_start3A_135 = tpu.memref_slice %arg4[%dma_start3A_133, %dma_start3A_134] : memref<528x128xf32, #tpu.memory_space<vmem>> -> memref<512x128xf32, #tpu.memory_space<vmem>>
    %dma_start3A_136 = arith.constant 0 : i32
    %dma_start3A_137 = arith.constant 0 : i32
    %dma_start3A_138 = tpu.memref_slice %arg3[%add3A_132, %dma_start3A_136, %dma_start3A_137] : memref<512x512x128xf32, #tpu.memory_space<hbm>> -> memref<1x512x128xf32, #tpu.memory_space<hbm>>
    %dma_start3A_139 = tpu.memref_squeeze %dma_start3A_138 : memref<1x512x128xf32, #tpu.memory_space<hbm>> -> memref<512x128xf32, #tpu.memory_space<hbm>>
    %dma_start3A_140 = arith.constant 0 : i32
    %dma_start3A_141 = arith.constant 0 : i32
    %dma_start3A_142 = tpu.memref_slice %arg3[%add3A_132, %dma_start3A_140, %dma_start3A_141] : memref<512x512x128xf32, #tpu.memory_space<hbm>> -> memref<1x512x128xf32, #tpu.memory_space<hbm>>
    %dma_start3A_143 = tpu.memref_squeeze %dma_start3A_142 : memref<1x512x128xf32, #tpu.memory_space<hbm>> -> memref<512x128xf32, #tpu.memory_space<hbm>>
    %dma_start3A_144 = arith.constant 7 : i32
    %dma_start3A_145 = arith.constant 0 : i32
    %dma_start3A_146 = tpu.memref_slice %arg4[%dma_start3A_144, %dma_start3A_145] : memref<528x128xf32, #tpu.memory_space<vmem>> -> memref<512x128xf32, #tpu.memory_space<vmem>>
    tpu.enqueue_dma source(%dma_start3A_146 : memref<512x128xf32, #tpu.memory_space<vmem>>) target(%dma_start3A_143 : memref<512x128xf32, #tpu.memory_space<hbm>>) target_semaphore(%arg5 : memref<!tpu.dma_semaphore, #tpu.memory_space<semaphore_mem>>)
    %add3A_147 = arith.constant 9 : i32
    %add3A_148 = arith.addi %mul3A_2, %add3A_147 : i32
    %dma_start3A_149 = arith.constant 6 : i32
    %dma_start3A_150 = arith.constant 0 : i32
    %dma_start3A_151 = tpu.memref_slice %arg4[%dma_start3A_149, %dma_start3A_150] : memref<528x128xf32, #tpu.memory_space<vmem>> -> memref<512x128xf32, #tpu.memory_space<vmem>>
    %dma_start3A_152 = arith.constant 0 : i32
    %dma_start3A_153 = arith.constant 0 : i32
    %dma_start3A_154 = tpu.memref_slice %arg3[%add3A_148, %dma_start3A_152, %dma_start3A_153] : memref<512x512x128xf32, #tpu.memory_space<hbm>> -> memref<1x512x128xf32, #tpu.memory_space<hbm>>
    %dma_start3A_155 = tpu.memref_squeeze %dma_start3A_154 : memref<1x512x128xf32, #tpu.memory_space<hbm>> -> memref<512x128xf32, #tpu.memory_space<hbm>>
    %dma_start3A_156 = arith.constant 0 : i32
    %dma_start3A_157 = arith.constant 0 : i32
    %dma_start3A_158 = tpu.memref_slice %arg3[%add3A_148, %dma_start3A_156, %dma_start3A_157] : memref<512x512x128xf32, #tpu.memory_space<hbm>> -> memref<1x512x128xf32, #tpu.memory_space<hbm>>
    %dma_start3A_159 = tpu.memref_squeeze %dma_start3A_158 : memref<1x512x128xf32, #tpu.memory_space<hbm>> -> memref<512x128xf32, #tpu.memory_space<hbm>>
    %dma_start3A_160 = arith.constant 6 : i32
    %dma_start3A_161 = arith.constant 0 : i32
    %dma_start3A_162 = tpu.memref_slice %arg4[%dma_start3A_160, %dma_start3A_161] : memref<528x128xf32, #tpu.memory_space<vmem>> -> memref<512x128xf32, #tpu.memory_space<vmem>>
    tpu.enqueue_dma source(%dma_start3A_162 : memref<512x128xf32, #tpu.memory_space<vmem>>) target(%dma_start3A_159 : memref<512x128xf32, #tpu.memory_space<hbm>>) target_semaphore(%arg5 : memref<!tpu.dma_semaphore, #tpu.memory_space<semaphore_mem>>)
    %add3A_163 = arith.constant 10 : i32
    %add3A_164 = arith.addi %mul3A_2, %add3A_163 : i32
    %dma_start3A_165 = arith.constant 5 : i32
    %dma_start3A_166 = arith.constant 0 : i32
    %dma_start3A_167 = tpu.memref_slice %arg4[%dma_start3A_165, %dma_start3A_166] : memref<528x128xf32, #tpu.memory_space<vmem>> -> memref<512x128xf32, #tpu.memory_space<vmem>>
    %dma_start3A_168 = arith.constant 0 : i32
    %dma_start3A_169 = arith.constant 0 : i32
    %dma_start3A_170 = tpu.memref_slice %arg3[%add3A_164, %dma_start3A_168, %dma_start3A_169] : memref<512x512x128xf32, #tpu.memory_space<hbm>> -> memref<1x512x128xf32, #tpu.memory_space<hbm>>
    %dma_start3A_171 = tpu.memref_squeeze %dma_start3A_170 : memref<1x512x128xf32, #tpu.memory_space<hbm>> -> memref<512x128xf32, #tpu.memory_space<hbm>>
    %dma_start3A_172 = arith.constant 0 : i32
    %dma_start3A_173 = arith.constant 0 : i32
    %dma_start3A_174 = tpu.memref_slice %arg3[%add3A_164, %dma_start3A_172, %dma_start3A_173] : memref<512x512x128xf32, #tpu.memory_space<hbm>> -> memref<1x512x128xf32, #tpu.memory_space<hbm>>
    %dma_start3A_175 = tpu.memref_squeeze %dma_start3A_174 : memref<1x512x128xf32, #tpu.memory_space<hbm>> -> memref<512x128xf32, #tpu.memory_space<hbm>>
    %dma_start3A_176 = arith.constant 5 : i32
    %dma_start3A_177 = arith.constant 0 : i32
    %dma_start3A_178 = tpu.memref_slice %arg4[%dma_start3A_176, %dma_start3A_177] : memref<528x128xf32, #tpu.memory_space<vmem>> -> memref<512x128xf32, #tpu.memory_space<vmem>>
    tpu.enqueue_dma source(%dma_start3A_178 : memref<512x128xf32, #tpu.memory_space<vmem>>) target(%dma_start3A_175 : memref<512x128xf32, #tpu.memory_space<hbm>>) target_semaphore(%arg5 : memref<!tpu.dma_semaphore, #tpu.memory_space<semaphore_mem>>)
    %add3A_179 = arith.constant 11 : i32
    %add3A_180 = arith.addi %mul3A_2, %add3A_179 : i32
    %dma_start3A_181 = arith.constant 4 : i32
    %dma_start3A_182 = arith.constant 0 : i32
    %dma_start3A_183 = tpu.memref_slice %arg4[%dma_start3A_181, %dma_start3A_182] : memref<528x128xf32, #tpu.memory_space<vmem>> -> memref<512x128xf32, #tpu.memory_space<vmem>>
    %dma_start3A_184 = arith.constant 0 : i32
    %dma_start3A_185 = arith.constant 0 : i32
    %dma_start3A_186 = tpu.memref_slice %arg3[%add3A_180, %dma_start3A_184, %dma_start3A_185] : memref<512x512x128xf32, #tpu.memory_space<hbm>> -> memref<1x512x128xf32, #tpu.memory_space<hbm>>
    %dma_start3A_187 = tpu.memref_squeeze %dma_start3A_186 : memref<1x512x128xf32, #tpu.memory_space<hbm>> -> memref<512x128xf32, #tpu.memory_space<hbm>>
    %dma_start3A_188 = arith.constant 0 : i32
    %dma_start3A_189 = arith.constant 0 : i32
    %dma_start3A_190 = tpu.memref_slice %arg3[%add3A_180, %dma_start3A_188, %dma_start3A_189] : memref<512x512x128xf32, #tpu.memory_space<hbm>> -> memref<1x512x128xf32, #tpu.memory_space<hbm>>
    %dma_start3A_191 = tpu.memref_squeeze %dma_start3A_190 : memref<1x512x128xf32, #tpu.memory_space<hbm>> -> memref<512x128xf32, #tpu.memory_space<hbm>>
    %dma_start3A_192 = arith.constant 4 : i32
    %dma_start3A_193 = arith.constant 0 : i32
    %dma_start3A_194 = tpu.memref_slice %arg4[%dma_start3A_192, %dma_start3A_193] : memref<528x128xf32, #tpu.memory_space<vmem>> -> memref<512x128xf32, #tpu.memory_space<vmem>>
    tpu.enqueue_dma source(%dma_start3A_194 : memref<512x128xf32, #tpu.memory_space<vmem>>) target(%dma_start3A_191 : memref<512x128xf32, #tpu.memory_space<hbm>>) target_semaphore(%arg5 : memref<!tpu.dma_semaphore, #tpu.memory_space<semaphore_mem>>)
    %add3A_195 = arith.constant 12 : i32
    %add3A_196 = arith.addi %mul3A_2, %add3A_195 : i32
    %dma_start3A_197 = arith.constant 3 : i32
    %dma_start3A_198 = arith.constant 0 : i32
    %dma_start3A_199 = tpu.memref_slice %arg4[%dma_start3A_197, %dma_start3A_198] : memref<528x128xf32, #tpu.memory_space<vmem>> -> memref<512x128xf32, #tpu.memory_space<vmem>>
    %dma_start3A_200 = arith.constant 0 : i32
    %dma_start3A_201 = arith.constant 0 : i32
    %dma_start3A_202 = tpu.memref_slice %arg3[%add3A_196, %dma_start3A_200, %dma_start3A_201] : memref<512x512x128xf32, #tpu.memory_space<hbm>> -> memref<1x512x128xf32, #tpu.memory_space<hbm>>
    %dma_start3A_203 = tpu.memref_squeeze %dma_start3A_202 : memref<1x512x128xf32, #tpu.memory_space<hbm>> -> memref<512x128xf32, #tpu.memory_space<hbm>>
    %dma_start3A_204 = arith.constant 0 : i32
    %dma_start3A_205 = arith.constant 0 : i32
    %dma_start3A_206 = tpu.memref_slice %arg3[%add3A_196, %dma_start3A_204, %dma_start3A_205] : memref<512x512x128xf32, #tpu.memory_space<hbm>> -> memref<1x512x128xf32, #tpu.memory_space<hbm>>
    %dma_start3A_207 = tpu.memref_squeeze %dma_start3A_206 : memref<1x512x128xf32, #tpu.memory_space<hbm>> -> memref<512x128xf32, #tpu.memory_space<hbm>>
    %dma_start3A_208 = arith.constant 3 : i32
    %dma_start3A_209 = arith.constant 0 : i32
    %dma_start3A_210 = tpu.memref_slice %arg4[%dma_start3A_208, %dma_start3A_209] : memref<528x128xf32, #tpu.memory_space<vmem>> -> memref<512x128xf32, #tpu.memory_space<vmem>>
    tpu.enqueue_dma source(%dma_start3A_210 : memref<512x128xf32, #tpu.memory_space<vmem>>) target(%dma_start3A_207 : memref<512x128xf32, #tpu.memory_space<hbm>>) target_semaphore(%arg5 : memref<!tpu.dma_semaphore, #tpu.memory_space<semaphore_mem>>)
    %add3A_211 = arith.constant 13 : i32
    %add3A_212 = arith.addi %mul3A_2, %add3A_211 : i32
    %dma_start3A_213 = arith.constant 2 : i32
    %dma_start3A_214 = arith.constant 0 : i32
    %dma_start3A_215 = tpu.memref_slice %arg4[%dma_start3A_213, %dma_start3A_214] : memref<528x128xf32, #tpu.memory_space<vmem>> -> memref<512x128xf32, #tpu.memory_space<vmem>>
    %dma_start3A_216 = arith.constant 0 : i32
    %dma_start3A_217 = arith.constant 0 : i32
    %dma_start3A_218 = tpu.memref_slice %arg3[%add3A_212, %dma_start3A_216, %dma_start3A_217] : memref<512x512x128xf32, #tpu.memory_space<hbm>> -> memref<1x512x128xf32, #tpu.memory_space<hbm>>
    %dma_start3A_219 = tpu.memref_squeeze %dma_start3A_218 : memref<1x512x128xf32, #tpu.memory_space<hbm>> -> memref<512x128xf32, #tpu.memory_space<hbm>>
    %dma_start3A_220 = arith.constant 0 : i32
    %dma_start3A_221 = arith.constant 0 : i32
    %dma_start3A_222 = tpu.memref_slice %arg3[%add3A_212, %dma_start3A_220, %dma_start3A_221] : memref<512x512x128xf32, #tpu.memory_space<hbm>> -> memref<1x512x128xf32, #tpu.memory_space<hbm>>
    %dma_start3A_223 = tpu.memref_squeeze %dma_start3A_222 : memref<1x512x128xf32, #tpu.memory_space<hbm>> -> memref<512x128xf32, #tpu.memory_space<hbm>>
    %dma_start3A_224 = arith.constant 2 : i32
    %dma_start3A_225 = arith.constant 0 : i32
    %dma_start3A_226 = tpu.memref_slice %arg4[%dma_start3A_224, %dma_start3A_225] : memref<528x128xf32, #tpu.memory_space<vmem>> -> memref<512x128xf32, #tpu.memory_space<vmem>>
    tpu.enqueue_dma source(%dma_start3A_226 : memref<512x128xf32, #tpu.memory_space<vmem>>) target(%dma_start3A_223 : memref<512x128xf32, #tpu.memory_space<hbm>>) target_semaphore(%arg5 : memref<!tpu.dma_semaphore, #tpu.memory_space<semaphore_mem>>)
    %add3A_227 = arith.constant 14 : i32
    %add3A_228 = arith.addi %mul3A_2, %add3A_227 : i32
    %dma_start3A_229 = arith.constant 1 : i32
    %dma_start3A_230 = arith.constant 0 : i32
    %dma_start3A_231 = tpu.memref_slice %arg4[%dma_start3A_229, %dma_start3A_230] : memref<528x128xf32, #tpu.memory_space<vmem>> -> memref<512x128xf32, #tpu.memory_space<vmem>>
    %dma_start3A_232 = arith.constant 0 : i32
    %dma_start3A_233 = arith.constant 0 : i32
    %dma_start3A_234 = tpu.memref_slice %arg3[%add3A_228, %dma_start3A_232, %dma_start3A_233] : memref<512x512x128xf32, #tpu.memory_space<hbm>> -> memref<1x512x128xf32, #tpu.memory_space<hbm>>
    %dma_start3A_235 = tpu.memref_squeeze %dma_start3A_234 : memref<1x512x128xf32, #tpu.memory_space<hbm>> -> memref<512x128xf32, #tpu.memory_space<hbm>>
    %dma_start3A_236 = arith.constant 0 : i32
    %dma_start3A_237 = arith.constant 0 : i32
    %dma_start3A_238 = tpu.memref_slice %arg3[%add3A_228, %dma_start3A_236, %dma_start3A_237] : memref<512x512x128xf32, #tpu.memory_space<hbm>> -> memref<1x512x128xf32, #tpu.memory_space<hbm>>
    %dma_start3A_239 = tpu.memref_squeeze %dma_start3A_238 : memref<1x512x128xf32, #tpu.memory_space<hbm>> -> memref<512x128xf32, #tpu.memory_space<hbm>>
    %dma_start3A_240 = arith.constant 1 : i32
    %dma_start3A_241 = arith.constant 0 : i32
    %dma_start3A_242 = tpu.memref_slice %arg4[%dma_start3A_240, %dma_start3A_241] : memref<528x128xf32, #tpu.memory_space<vmem>> -> memref<512x128xf32, #tpu.memory_space<vmem>>
    tpu.enqueue_dma source(%dma_start3A_242 : memref<512x128xf32, #tpu.memory_space<vmem>>) target(%dma_start3A_239 : memref<512x128xf32, #tpu.memory_space<hbm>>) target_semaphore(%arg5 : memref<!tpu.dma_semaphore, #tpu.memory_space<semaphore_mem>>)
    %add3A_243 = arith.constant 15 : i32
    %add3A_244 = arith.addi %mul3A_2, %add3A_243 : i32
    %dma_start3A_245 = arith.constant 0 : i32
    %dma_start3A_246 = arith.constant 0 : i32
    %dma_start3A_247 = tpu.memref_slice %arg4[%dma_start3A_245, %dma_start3A_246] : memref<528x128xf32, #tpu.memory_space<vmem>> -> memref<512x128xf32, #tpu.memory_space<vmem>>
    %dma_start3A_248 = arith.constant 0 : i32
    %dma_start3A_249 = arith.constant 0 : i32
    %dma_start3A_250 = tpu.memref_slice %arg3[%add3A_244, %dma_start3A_248, %dma_start3A_249] : memref<512x512x128xf32, #tpu.memory_space<hbm>> -> memref<1x512x128xf32, #tpu.memory_space<hbm>>
    %dma_start3A_251 = tpu.memref_squeeze %dma_start3A_250 : memref<1x512x128xf32, #tpu.memory_space<hbm>> -> memref<512x128xf32, #tpu.memory_space<hbm>>
    %dma_start3A_252 = arith.constant 0 : i32
    %dma_start3A_253 = arith.constant 0 : i32
    %dma_start3A_254 = tpu.memref_slice %arg3[%add3A_244, %dma_start3A_252, %dma_start3A_253] : memref<512x512x128xf32, #tpu.memory_space<hbm>> -> memref<1x512x128xf32, #tpu.memory_space<hbm>>
    %dma_start3A_255 = tpu.memref_squeeze %dma_start3A_254 : memref<1x512x128xf32, #tpu.memory_space<hbm>> -> memref<512x128xf32, #tpu.memory_space<hbm>>
    %dma_start3A_256 = arith.constant 0 : i32
    %dma_start3A_257 = arith.constant 0 : i32
    %dma_start3A_258 = tpu.memref_slice %arg4[%dma_start3A_256, %dma_start3A_257] : memref<528x128xf32, #tpu.memory_space<vmem>> -> memref<512x128xf32, #tpu.memory_space<vmem>>
    tpu.enqueue_dma source(%dma_start3A_258 : memref<512x128xf32, #tpu.memory_space<vmem>>) target(%dma_start3A_255 : memref<512x128xf32, #tpu.memory_space<hbm>>) target_semaphore(%arg5 : memref<!tpu.dma_semaphore, #tpu.memory_space<semaphore_mem>>)
    %dma_wait3A = arith.constant 15 : i32
    %dma_wait3A_259 = arith.constant 0 : i32
    %dma_wait3A_260 = tpu.memref_slice %arg4[%dma_wait3A, %dma_wait3A_259] : memref<528x128xf32, #tpu.memory_space<vmem>> -> memref<512x128xf32, #tpu.memory_space<vmem>>
    %dma_wait3A_261 = arith.constant 0 : i32
    %dma_wait3A_262 = arith.constant 0 : i32
    %dma_wait3A_263 = tpu.memref_slice %arg3[%add3A_5, %dma_wait3A_261, %dma_wait3A_262] : memref<512x512x128xf32, #tpu.memory_space<hbm>> -> memref<1x512x128xf32, #tpu.memory_space<hbm>>
    %dma_wait3A_264 = tpu.memref_squeeze %dma_wait3A_263 : memref<1x512x128xf32, #tpu.memory_space<hbm>> -> memref<512x128xf32, #tpu.memory_space<hbm>>
    %dma_wait3A_265 = arith.constant 0 : i32
    %dma_wait3A_266 = arith.constant 0 : i32
    %dma_wait3A_267 = tpu.memref_slice %arg3[%add3A_5, %dma_wait3A_265, %dma_wait3A_266] : memref<512x512x128xf32, #tpu.memory_space<hbm>> -> memref<1x512x128xf32, #tpu.memory_space<hbm>>
    %dma_wait3A_268 = tpu.memref_squeeze %dma_wait3A_267 : memref<1x512x128xf32, #tpu.memory_space<hbm>> -> memref<512x128xf32, #tpu.memory_space<hbm>>
    %dma_wait3A_269 = arith.constant 15 : i32
    %dma_wait3A_270 = arith.constant 0 : i32
    %dma_wait3A_271 = tpu.memref_slice %arg4[%dma_wait3A_269, %dma_wait3A_270] : memref<528x128xf32, #tpu.memory_space<vmem>> -> memref<512x128xf32, #tpu.memory_space<vmem>>
    tpu.wait_dma2 semaphore(%arg5 : memref<!tpu.dma_semaphore, #tpu.memory_space<semaphore_mem>>) src(%dma_wait3A_271 : memref<512x128xf32, #tpu.memory_space<vmem>>) dst(%dma_wait3A_268 : memref<512x128xf32, #tpu.memory_space<hbm>>)
    %dma_wait3A_272 = arith.constant 14 : i32
    %dma_wait3A_273 = arith.constant 0 : i32
    %dma_wait3A_274 = tpu.memref_slice %arg4[%dma_wait3A_272, %dma_wait3A_273] : memref<528x128xf32, #tpu.memory_space<vmem>> -> memref<512x128xf32, #tpu.memory_space<vmem>>
    %dma_wait3A_275 = arith.constant 0 : i32
    %dma_wait3A_276 = arith.constant 0 : i32
    %dma_wait3A_277 = tpu.memref_slice %arg3[%add3A_20, %dma_wait3A_275, %dma_wait3A_276] : memref<512x512x128xf32, #tpu.memory_space<hbm>> -> memref<1x512x128xf32, #tpu.memory_space<hbm>>
    %dma_wait3A_278 = tpu.memref_squeeze %dma_wait3A_277 : memref<1x512x128xf32, #tpu.memory_space<hbm>> -> memref<512x128xf32, #tpu.memory_space<hbm>>
    %dma_wait3A_279 = arith.constant 0 : i32
    %dma_wait3A_280 = arith.constant 0 : i32
    %dma_wait3A_281 = tpu.memref_slice %arg3[%add3A_20, %dma_wait3A_279, %dma_wait3A_280] : memref<512x512x128xf32, #tpu.memory_space<hbm>> -> memref<1x512x128xf32, #tpu.memory_space<hbm>>
    %dma_wait3A_282 = tpu.memref_squeeze %dma_wait3A_281 : memref<1x512x128xf32, #tpu.memory_space<hbm>> -> memref<512x128xf32, #tpu.memory_space<hbm>>
    %dma_wait3A_283 = arith.constant 14 : i32
    %dma_wait3A_284 = arith.constant 0 : i32
    %dma_wait3A_285 = tpu.memref_slice %arg4[%dma_wait3A_283, %dma_wait3A_284] : memref<528x128xf32, #tpu.memory_space<vmem>> -> memref<512x128xf32, #tpu.memory_space<vmem>>
    tpu.wait_dma2 semaphore(%arg5 : memref<!tpu.dma_semaphore, #tpu.memory_space<semaphore_mem>>) src(%dma_wait3A_285 : memref<512x128xf32, #tpu.memory_space<vmem>>) dst(%dma_wait3A_282 : memref<512x128xf32, #tpu.memory_space<hbm>>)
    %dma_wait3A_286 = arith.constant 13 : i32
    %dma_wait3A_287 = arith.constant 0 : i32
    %dma_wait3A_288 = tpu.memref_slice %arg4[%dma_wait3A_286, %dma_wait3A_287] : memref<528x128xf32, #tpu.memory_space<vmem>> -> memref<512x128xf32, #tpu.memory_space<vmem>>
    %dma_wait3A_289 = arith.constant 0 : i32
    %dma_wait3A_290 = arith.constant 0 : i32
    %dma_wait3A_291 = tpu.memref_slice %arg3[%add3A_36, %dma_wait3A_289, %dma_wait3A_290] : memref<512x512x128xf32, #tpu.memory_space<hbm>> -> memref<1x512x128xf32, #tpu.memory_space<hbm>>
    %dma_wait3A_292 = tpu.memref_squeeze %dma_wait3A_291 : memref<1x512x128xf32, #tpu.memory_space<hbm>> -> memref<512x128xf32, #tpu.memory_space<hbm>>
    %dma_wait3A_293 = arith.constant 0 : i32
    %dma_wait3A_294 = arith.constant 0 : i32
    %dma_wait3A_295 = tpu.memref_slice %arg3[%add3A_36, %dma_wait3A_293, %dma_wait3A_294] : memref<512x512x128xf32, #tpu.memory_space<hbm>> -> memref<1x512x128xf32, #tpu.memory_space<hbm>>
    %dma_wait3A_296 = tpu.memref_squeeze %dma_wait3A_295 : memref<1x512x128xf32, #tpu.memory_space<hbm>> -> memref<512x128xf32, #tpu.memory_space<hbm>>
    %dma_wait3A_297 = arith.constant 13 : i32
    %dma_wait3A_298 = arith.constant 0 : i32
    %dma_wait3A_299 = tpu.memref_slice %arg4[%dma_wait3A_297, %dma_wait3A_298] : memref<528x128xf32, #tpu.memory_space<vmem>> -> memref<512x128xf32, #tpu.memory_space<vmem>>
    tpu.wait_dma2 semaphore(%arg5 : memref<!tpu.dma_semaphore, #tpu.memory_space<semaphore_mem>>) src(%dma_wait3A_299 : memref<512x128xf32, #tpu.memory_space<vmem>>) dst(%dma_wait3A_296 : memref<512x128xf32, #tpu.memory_space<hbm>>)
    %dma_wait3A_300 = arith.constant 12 : i32
    %dma_wait3A_301 = arith.constant 0 : i32
    %dma_wait3A_302 = tpu.memref_slice %arg4[%dma_wait3A_300, %dma_wait3A_301] : memref<528x128xf32, #tpu.memory_space<vmem>> -> memref<512x128xf32, #tpu.memory_space<vmem>>
    %dma_wait3A_303 = arith.constant 0 : i32
    %dma_wait3A_304 = arith.constant 0 : i32
    %dma_wait3A_305 = tpu.memref_slice %arg3[%add3A_52, %dma_wait3A_303, %dma_wait3A_304] : memref<512x512x128xf32, #tpu.memory_space<hbm>> -> memref<1x512x128xf32, #tpu.memory_space<hbm>>
    %dma_wait3A_306 = tpu.memref_squeeze %dma_wait3A_305 : memref<1x512x128xf32, #tpu.memory_space<hbm>> -> memref<512x128xf32, #tpu.memory_space<hbm>>
    %dma_wait3A_307 = arith.constant 0 : i32
    %dma_wait3A_308 = arith.constant 0 : i32
    %dma_wait3A_309 = tpu.memref_slice %arg3[%add3A_52, %dma_wait3A_307, %dma_wait3A_308] : memref<512x512x128xf32, #tpu.memory_space<hbm>> -> memref<1x512x128xf32, #tpu.memory_space<hbm>>
    %dma_wait3A_310 = tpu.memref_squeeze %dma_wait3A_309 : memref<1x512x128xf32, #tpu.memory_space<hbm>> -> memref<512x128xf32, #tpu.memory_space<hbm>>
    %dma_wait3A_311 = arith.constant 12 : i32
    %dma_wait3A_312 = arith.constant 0 : i32
    %dma_wait3A_313 = tpu.memref_slice %arg4[%dma_wait3A_311, %dma_wait3A_312] : memref<528x128xf32, #tpu.memory_space<vmem>> -> memref<512x128xf32, #tpu.memory_space<vmem>>
    tpu.wait_dma2 semaphore(%arg5 : memref<!tpu.dma_semaphore, #tpu.memory_space<semaphore_mem>>) src(%dma_wait3A_313 : memref<512x128xf32, #tpu.memory_space<vmem>>) dst(%dma_wait3A_310 : memref<512x128xf32, #tpu.memory_space<hbm>>)
    %dma_wait3A_314 = arith.constant 11 : i32
    %dma_wait3A_315 = arith.constant 0 : i32
    %dma_wait3A_316 = tpu.memref_slice %arg4[%dma_wait3A_314, %dma_wait3A_315] : memref<528x128xf32, #tpu.memory_space<vmem>> -> memref<512x128xf32, #tpu.memory_space<vmem>>
    %dma_wait3A_317 = arith.constant 0 : i32
    %dma_wait3A_318 = arith.constant 0 : i32
    %dma_wait3A_319 = tpu.memref_slice %arg3[%add3A_68, %dma_wait3A_317, %dma_wait3A_318] : memref<512x512x128xf32, #tpu.memory_space<hbm>> -> memref<1x512x128xf32, #tpu.memory_space<hbm>>
    %dma_wait3A_320 = tpu.memref_squeeze %dma_wait3A_319 : memref<1x512x128xf32, #tpu.memory_space<hbm>> -> memref<512x128xf32, #tpu.memory_space<hbm>>
    %dma_wait3A_321 = arith.constant 0 : i32
    %dma_wait3A_322 = arith.constant 0 : i32
    %dma_wait3A_323 = tpu.memref_slice %arg3[%add3A_68, %dma_wait3A_321, %dma_wait3A_322] : memref<512x512x128xf32, #tpu.memory_space<hbm>> -> memref<1x512x128xf32, #tpu.memory_space<hbm>>
    %dma_wait3A_324 = tpu.memref_squeeze %dma_wait3A_323 : memref<1x512x128xf32, #tpu.memory_space<hbm>> -> memref<512x128xf32, #tpu.memory_space<hbm>>
    %dma_wait3A_325 = arith.constant 11 : i32
    %dma_wait3A_326 = arith.constant 0 : i32
    %dma_wait3A_327 = tpu.memref_slice %arg4[%dma_wait3A_325, %dma_wait3A_326] : memref<528x128xf32, #tpu.memory_space<vmem>> -> memref<512x128xf32, #tpu.memory_space<vmem>>
    tpu.wait_dma2 semaphore(%arg5 : memref<!tpu.dma_semaphore, #tpu.memory_space<semaphore_mem>>) src(%dma_wait3A_327 : memref<512x128xf32, #tpu.memory_space<vmem>>) dst(%dma_wait3A_324 : memref<512x128xf32, #tpu.memory_space<hbm>>)
    %dma_wait3A_328 = arith.constant 10 : i32
    %dma_wait3A_329 = arith.constant 0 : i32
    %dma_wait3A_330 = tpu.memref_slice %arg4[%dma_wait3A_328, %dma_wait3A_329] : memref<528x128xf32, #tpu.memory_space<vmem>> -> memref<512x128xf32, #tpu.memory_space<vmem>>
    %dma_wait3A_331 = arith.constant 0 : i32
    %dma_wait3A_332 = arith.constant 0 : i32
    %dma_wait3A_333 = tpu.memref_slice %arg3[%add3A_84, %dma_wait3A_331, %dma_wait3A_332] : memref<512x512x128xf32, #tpu.memory_space<hbm>> -> memref<1x512x128xf32, #tpu.memory_space<hbm>>
    %dma_wait3A_334 = tpu.memref_squeeze %dma_wait3A_333 : memref<1x512x128xf32, #tpu.memory_space<hbm>> -> memref<512x128xf32, #tpu.memory_space<hbm>>
    %dma_wait3A_335 = arith.constant 0 : i32
    %dma_wait3A_336 = arith.constant 0 : i32
    %dma_wait3A_337 = tpu.memref_slice %arg3[%add3A_84, %dma_wait3A_335, %dma_wait3A_336] : memref<512x512x128xf32, #tpu.memory_space<hbm>> -> memref<1x512x128xf32, #tpu.memory_space<hbm>>
    %dma_wait3A_338 = tpu.memref_squeeze %dma_wait3A_337 : memref<1x512x128xf32, #tpu.memory_space<hbm>> -> memref<512x128xf32, #tpu.memory_space<hbm>>
    %dma_wait3A_339 = arith.constant 10 : i32
    %dma_wait3A_340 = arith.constant 0 : i32
    %dma_wait3A_341 = tpu.memref_slice %arg4[%dma_wait3A_339, %dma_wait3A_340] : memref<528x128xf32, #tpu.memory_space<vmem>> -> memref<512x128xf32, #tpu.memory_space<vmem>>
    tpu.wait_dma2 semaphore(%arg5 : memref<!tpu.dma_semaphore, #tpu.memory_space<semaphore_mem>>) src(%dma_wait3A_341 : memref<512x128xf32, #tpu.memory_space<vmem>>) dst(%dma_wait3A_338 : memref<512x128xf32, #tpu.memory_space<hbm>>)
    %dma_wait3A_342 = arith.constant 9 : i32
    %dma_wait3A_343 = arith.constant 0 : i32
    %dma_wait3A_344 = tpu.memref_slice %arg4[%dma_wait3A_342, %dma_wait3A_343] : memref<528x128xf32, #tpu.memory_space<vmem>> -> memref<512x128xf32, #tpu.memory_space<vmem>>
    %dma_wait3A_345 = arith.constant 0 : i32
    %dma_wait3A_346 = arith.constant 0 : i32
    %dma_wait3A_347 = tpu.memref_slice %arg3[%add3A_100, %dma_wait3A_345, %dma_wait3A_346] : memref<512x512x128xf32, #tpu.memory_space<hbm>> -> memref<1x512x128xf32, #tpu.memory_space<hbm>>
    %dma_wait3A_348 = tpu.memref_squeeze %dma_wait3A_347 : memref<1x512x128xf32, #tpu.memory_space<hbm>> -> memref<512x128xf32, #tpu.memory_space<hbm>>
    %dma_wait3A_349 = arith.constant 0 : i32
    %dma_wait3A_350 = arith.constant 0 : i32
    %dma_wait3A_351 = tpu.memref_slice %arg3[%add3A_100, %dma_wait3A_349, %dma_wait3A_350] : memref<512x512x128xf32, #tpu.memory_space<hbm>> -> memref<1x512x128xf32, #tpu.memory_space<hbm>>
    %dma_wait3A_352 = tpu.memref_squeeze %dma_wait3A_351 : memref<1x512x128xf32, #tpu.memory_space<hbm>> -> memref<512x128xf32, #tpu.memory_space<hbm>>
    %dma_wait3A_353 = arith.constant 9 : i32
    %dma_wait3A_354 = arith.constant 0 : i32
    %dma_wait3A_355 = tpu.memref_slice %arg4[%dma_wait3A_353, %dma_wait3A_354] : memref<528x128xf32, #tpu.memory_space<vmem>> -> memref<512x128xf32, #tpu.memory_space<vmem>>
    tpu.wait_dma2 semaphore(%arg5 : memref<!tpu.dma_semaphore, #tpu.memory_space<semaphore_mem>>) src(%dma_wait3A_355 : memref<512x128xf32, #tpu.memory_space<vmem>>) dst(%dma_wait3A_352 : memref<512x128xf32, #tpu.memory_space<hbm>>)
    %dma_wait3A_356 = arith.constant 8 : i32
    %dma_wait3A_357 = arith.constant 0 : i32
    %dma_wait3A_358 = tpu.memref_slice %arg4[%dma_wait3A_356, %dma_wait3A_357] : memref<528x128xf32, #tpu.memory_space<vmem>> -> memref<512x128xf32, #tpu.memory_space<vmem>>
    %dma_wait3A_359 = arith.constant 0 : i32
    %dma_wait3A_360 = arith.constant 0 : i32
    %dma_wait3A_361 = tpu.memref_slice %arg3[%add3A_116, %dma_wait3A_359, %dma_wait3A_360] : memref<512x512x128xf32, #tpu.memory_space<hbm>> -> memref<1x512x128xf32, #tpu.memory_space<hbm>>
    %dma_wait3A_362 = tpu.memref_squeeze %dma_wait3A_361 : memref<1x512x128xf32, #tpu.memory_space<hbm>> -> memref<512x128xf32, #tpu.memory_space<hbm>>
    %dma_wait3A_363 = arith.constant 0 : i32
    %dma_wait3A_364 = arith.constant 0 : i32
    %dma_wait3A_365 = tpu.memref_slice %arg3[%add3A_116, %dma_wait3A_363, %dma_wait3A_364] : memref<512x512x128xf32, #tpu.memory_space<hbm>> -> memref<1x512x128xf32, #tpu.memory_space<hbm>>
    %dma_wait3A_366 = tpu.memref_squeeze %dma_wait3A_365 : memref<1x512x128xf32, #tpu.memory_space<hbm>> -> memref<512x128xf32, #tpu.memory_space<hbm>>
    %dma_wait3A_367 = arith.constant 8 : i32
    %dma_wait3A_368 = arith.constant 0 : i32
    %dma_wait3A_369 = tpu.memref_slice %arg4[%dma_wait3A_367, %dma_wait3A_368] : memref<528x128xf32, #tpu.memory_space<vmem>> -> memref<512x128xf32, #tpu.memory_space<vmem>>
    tpu.wait_dma2 semaphore(%arg5 : memref<!tpu.dma_semaphore, #tpu.memory_space<semaphore_mem>>) src(%dma_wait3A_369 : memref<512x128xf32, #tpu.memory_space<vmem>>) dst(%dma_wait3A_366 : memref<512x128xf32, #tpu.memory_space<hbm>>)
    %dma_wait3A_370 = arith.constant 7 : i32
    %dma_wait3A_371 = arith.constant 0 : i32
    %dma_wait3A_372 = tpu.memref_slice %arg4[%dma_wait3A_370, %dma_wait3A_371] : memref<528x128xf32, #tpu.memory_space<vmem>> -> memref<512x128xf32, #tpu.memory_space<vmem>>
    %dma_wait3A_373 = arith.constant 0 : i32
    %dma_wait3A_374 = arith.constant 0 : i32
    %dma_wait3A_375 = tpu.memref_slice %arg3[%add3A_132, %dma_wait3A_373, %dma_wait3A_374] : memref<512x512x128xf32, #tpu.memory_space<hbm>> -> memref<1x512x128xf32, #tpu.memory_space<hbm>>
    %dma_wait3A_376 = tpu.memref_squeeze %dma_wait3A_375 : memref<1x512x128xf32, #tpu.memory_space<hbm>> -> memref<512x128xf32, #tpu.memory_space<hbm>>
    %dma_wait3A_377 = arith.constant 0 : i32
    %dma_wait3A_378 = arith.constant 0 : i32
    %dma_wait3A_379 = tpu.memref_slice %arg3[%add3A_132, %dma_wait3A_377, %dma_wait3A_378] : memref<512x512x128xf32, #tpu.memory_space<hbm>> -> memref<1x512x128xf32, #tpu.memory_space<hbm>>
    %dma_wait3A_380 = tpu.memref_squeeze %dma_wait3A_379 : memref<1x512x128xf32, #tpu.memory_space<hbm>> -> memref<512x128xf32, #tpu.memory_space<hbm>>
    %dma_wait3A_381 = arith.constant 7 : i32
    %dma_wait3A_382 = arith.constant 0 : i32
    %dma_wait3A_383 = tpu.memref_slice %arg4[%dma_wait3A_381, %dma_wait3A_382] : memref<528x128xf32, #tpu.memory_space<vmem>> -> memref<512x128xf32, #tpu.memory_space<vmem>>
    tpu.wait_dma2 semaphore(%arg5 : memref<!tpu.dma_semaphore, #tpu.memory_space<semaphore_mem>>) src(%dma_wait3A_383 : memref<512x128xf32, #tpu.memory_space<vmem>>) dst(%dma_wait3A_380 : memref<512x128xf32, #tpu.memory_space<hbm>>)
    %dma_wait3A_384 = arith.constant 6 : i32
    %dma_wait3A_385 = arith.constant 0 : i32
    %dma_wait3A_386 = tpu.memref_slice %arg4[%dma_wait3A_384, %dma_wait3A_385] : memref<528x128xf32, #tpu.memory_space<vmem>> -> memref<512x128xf32, #tpu.memory_space<vmem>>
    %dma_wait3A_387 = arith.constant 0 : i32
    %dma_wait3A_388 = arith.constant 0 : i32
    %dma_wait3A_389 = tpu.memref_slice %arg3[%add3A_148, %dma_wait3A_387, %dma_wait3A_388] : memref<512x512x128xf32, #tpu.memory_space<hbm>> -> memref<1x512x128xf32, #tpu.memory_space<hbm>>
    %dma_wait3A_390 = tpu.memref_squeeze %dma_wait3A_389 : memref<1x512x128xf32, #tpu.memory_space<hbm>> -> memref<512x128xf32, #tpu.memory_space<hbm>>
    %dma_wait3A_391 = arith.constant 0 : i32
    %dma_wait3A_392 = arith.constant 0 : i32
    %dma_wait3A_393 = tpu.memref_slice %arg3[%add3A_148, %dma_wait3A_391, %dma_wait3A_392] : memref<512x512x128xf32, #tpu.memory_space<hbm>> -> memref<1x512x128xf32, #tpu.memory_space<hbm>>
    %dma_wait3A_394 = tpu.memref_squeeze %dma_wait3A_393 : memref<1x512x128xf32, #tpu.memory_space<hbm>> -> memref<512x128xf32, #tpu.memory_space<hbm>>
    %dma_wait3A_395 = arith.constant 6 : i32
    %dma_wait3A_396 = arith.constant 0 : i32
    %dma_wait3A_397 = tpu.memref_slice %arg4[%dma_wait3A_395, %dma_wait3A_396] : memref<528x128xf32, #tpu.memory_space<vmem>> -> memref<512x128xf32, #tpu.memory_space<vmem>>
    tpu.wait_dma2 semaphore(%arg5 : memref<!tpu.dma_semaphore, #tpu.memory_space<semaphore_mem>>) src(%dma_wait3A_397 : memref<512x128xf32, #tpu.memory_space<vmem>>) dst(%dma_wait3A_394 : memref<512x128xf32, #tpu.memory_space<hbm>>)
    %dma_wait3A_398 = arith.constant 5 : i32
    %dma_wait3A_399 = arith.constant 0 : i32
    %dma_wait3A_400 = tpu.memref_slice %arg4[%dma_wait3A_398, %dma_wait3A_399] : memref<528x128xf32, #tpu.memory_space<vmem>> -> memref<512x128xf32, #tpu.memory_space<vmem>>
    %dma_wait3A_401 = arith.constant 0 : i32
    %dma_wait3A_402 = arith.constant 0 : i32
    %dma_wait3A_403 = tpu.memref_slice %arg3[%add3A_164, %dma_wait3A_401, %dma_wait3A_402] : memref<512x512x128xf32, #tpu.memory_space<hbm>> -> memref<1x512x128xf32, #tpu.memory_space<hbm>>
    %dma_wait3A_404 = tpu.memref_squeeze %dma_wait3A_403 : memref<1x512x128xf32, #tpu.memory_space<hbm>> -> memref<512x128xf32, #tpu.memory_space<hbm>>
    %dma_wait3A_405 = arith.constant 0 : i32
    %dma_wait3A_406 = arith.constant 0 : i32
    %dma_wait3A_407 = tpu.memref_slice %arg3[%add3A_164, %dma_wait3A_405, %dma_wait3A_406] : memref<512x512x128xf32, #tpu.memory_space<hbm>> -> memref<1x512x128xf32, #tpu.memory_space<hbm>>
    %dma_wait3A_408 = tpu.memref_squeeze %dma_wait3A_407 : memref<1x512x128xf32, #tpu.memory_space<hbm>> -> memref<512x128xf32, #tpu.memory_space<hbm>>
    %dma_wait3A_409 = arith.constant 5 : i32
    %dma_wait3A_410 = arith.constant 0 : i32
    %dma_wait3A_411 = tpu.memref_slice %arg4[%dma_wait3A_409, %dma_wait3A_410] : memref<528x128xf32, #tpu.memory_space<vmem>> -> memref<512x128xf32, #tpu.memory_space<vmem>>
    tpu.wait_dma2 semaphore(%arg5 : memref<!tpu.dma_semaphore, #tpu.memory_space<semaphore_mem>>) src(%dma_wait3A_411 : memref<512x128xf32, #tpu.memory_space<vmem>>) dst(%dma_wait3A_408 : memref<512x128xf32, #tpu.memory_space<hbm>>)
    %dma_wait3A_412 = arith.constant 4 : i32
    %dma_wait3A_413 = arith.constant 0 : i32
    %dma_wait3A_414 = tpu.memref_slice %arg4[%dma_wait3A_412, %dma_wait3A_413] : memref<528x128xf32, #tpu.memory_space<vmem>> -> memref<512x128xf32, #tpu.memory_space<vmem>>
    %dma_wait3A_415 = arith.constant 0 : i32
    %dma_wait3A_416 = arith.constant 0 : i32
    %dma_wait3A_417 = tpu.memref_slice %arg3[%add3A_180, %dma_wait3A_415, %dma_wait3A_416] : memref<512x512x128xf32, #tpu.memory_space<hbm>> -> memref<1x512x128xf32, #tpu.memory_space<hbm>>
    %dma_wait3A_418 = tpu.memref_squeeze %dma_wait3A_417 : memref<1x512x128xf32, #tpu.memory_space<hbm>> -> memref<512x128xf32, #tpu.memory_space<hbm>>
    %dma_wait3A_419 = arith.constant 0 : i32
    %dma_wait3A_420 = arith.constant 0 : i32
    %dma_wait3A_421 = tpu.memref_slice %arg3[%add3A_180, %dma_wait3A_419, %dma_wait3A_420] : memref<512x512x128xf32, #tpu.memory_space<hbm>> -> memref<1x512x128xf32, #tpu.memory_space<hbm>>
    %dma_wait3A_422 = tpu.memref_squeeze %dma_wait3A_421 : memref<1x512x128xf32, #tpu.memory_space<hbm>> -> memref<512x128xf32, #tpu.memory_space<hbm>>
    %dma_wait3A_423 = arith.constant 4 : i32
    %dma_wait3A_424 = arith.constant 0 : i32
    %dma_wait3A_425 = tpu.memref_slice %arg4[%dma_wait3A_423, %dma_wait3A_424] : memref<528x128xf32, #tpu.memory_space<vmem>> -> memref<512x128xf32, #tpu.memory_space<vmem>>
    tpu.wait_dma2 semaphore(%arg5 : memref<!tpu.dma_semaphore, #tpu.memory_space<semaphore_mem>>) src(%dma_wait3A_425 : memref<512x128xf32, #tpu.memory_space<vmem>>) dst(%dma_wait3A_422 : memref<512x128xf32, #tpu.memory_space<hbm>>)
    %dma_wait3A_426 = arith.constant 3 : i32
    %dma_wait3A_427 = arith.constant 0 : i32
    %dma_wait3A_428 = tpu.memref_slice %arg4[%dma_wait3A_426, %dma_wait3A_427] : memref<528x128xf32, #tpu.memory_space<vmem>> -> memref<512x128xf32, #tpu.memory_space<vmem>>
    %dma_wait3A_429 = arith.constant 0 : i32
    %dma_wait3A_430 = arith.constant 0 : i32
    %dma_wait3A_431 = tpu.memref_slice %arg3[%add3A_196, %dma_wait3A_429, %dma_wait3A_430] : memref<512x512x128xf32, #tpu.memory_space<hbm>> -> memref<1x512x128xf32, #tpu.memory_space<hbm>>
    %dma_wait3A_432 = tpu.memref_squeeze %dma_wait3A_431 : memref<1x512x128xf32, #tpu.memory_space<hbm>> -> memref<512x128xf32, #tpu.memory_space<hbm>>
    %dma_wait3A_433 = arith.constant 0 : i32
    %dma_wait3A_434 = arith.constant 0 : i32
    %dma_wait3A_435 = tpu.memref_slice %arg3[%add3A_196, %dma_wait3A_433, %dma_wait3A_434] : memref<512x512x128xf32, #tpu.memory_space<hbm>> -> memref<1x512x128xf32, #tpu.memory_space<hbm>>
    %dma_wait3A_436 = tpu.memref_squeeze %dma_wait3A_435 : memref<1x512x128xf32, #tpu.memory_space<hbm>> -> memref<512x128xf32, #tpu.memory_space<hbm>>
    %dma_wait3A_437 = arith.constant 3 : i32
    %dma_wait3A_438 = arith.constant 0 : i32
    %dma_wait3A_439 = tpu.memref_slice %arg4[%dma_wait3A_437, %dma_wait3A_438] : memref<528x128xf32, #tpu.memory_space<vmem>> -> memref<512x128xf32, #tpu.memory_space<vmem>>
    tpu.wait_dma2 semaphore(%arg5 : memref<!tpu.dma_semaphore, #tpu.memory_space<semaphore_mem>>) src(%dma_wait3A_439 : memref<512x128xf32, #tpu.memory_space<vmem>>) dst(%dma_wait3A_436 : memref<512x128xf32, #tpu.memory_space<hbm>>)
    %dma_wait3A_440 = arith.constant 2 : i32
    %dma_wait3A_441 = arith.constant 0 : i32
    %dma_wait3A_442 = tpu.memref_slice %arg4[%dma_wait3A_440, %dma_wait3A_441] : memref<528x128xf32, #tpu.memory_space<vmem>> -> memref<512x128xf32, #tpu.memory_space<vmem>>
    %dma_wait3A_443 = arith.constant 0 : i32
    %dma_wait3A_444 = arith.constant 0 : i32
    %dma_wait3A_445 = tpu.memref_slice %arg3[%add3A_212, %dma_wait3A_443, %dma_wait3A_444] : memref<512x512x128xf32, #tpu.memory_space<hbm>> -> memref<1x512x128xf32, #tpu.memory_space<hbm>>
    %dma_wait3A_446 = tpu.memref_squeeze %dma_wait3A_445 : memref<1x512x128xf32, #tpu.memory_space<hbm>> -> memref<512x128xf32, #tpu.memory_space<hbm>>
    %dma_wait3A_447 = arith.constant 0 : i32
    %dma_wait3A_448 = arith.constant 0 : i32
    %dma_wait3A_449 = tpu.memref_slice %arg3[%add3A_212, %dma_wait3A_447, %dma_wait3A_448] : memref<512x512x128xf32, #tpu.memory_space<hbm>> -> memref<1x512x128xf32, #tpu.memory_space<hbm>>
    %dma_wait3A_450 = tpu.memref_squeeze %dma_wait3A_449 : memref<1x512x128xf32, #tpu.memory_space<hbm>> -> memref<512x128xf32, #tpu.memory_space<hbm>>
    %dma_wait3A_451 = arith.constant 2 : i32
    %dma_wait3A_452 = arith.constant 0 : i32
    %dma_wait3A_453 = tpu.memref_slice %arg4[%dma_wait3A_451, %dma_wait3A_452] : memref<528x128xf32, #tpu.memory_space<vmem>> -> memref<512x128xf32, #tpu.memory_space<vmem>>
    tpu.wait_dma2 semaphore(%arg5 : memref<!tpu.dma_semaphore, #tpu.memory_space<semaphore_mem>>) src(%dma_wait3A_453 : memref<512x128xf32, #tpu.memory_space<vmem>>) dst(%dma_wait3A_450 : memref<512x128xf32, #tpu.memory_space<hbm>>)
    %dma_wait3A_454 = arith.constant 1 : i32
    %dma_wait3A_455 = arith.constant 0 : i32
    %dma_wait3A_456 = tpu.memref_slice %arg4[%dma_wait3A_454, %dma_wait3A_455] : memref<528x128xf32, #tpu.memory_space<vmem>> -> memref<512x128xf32, #tpu.memory_space<vmem>>
    %dma_wait3A_457 = arith.constant 0 : i32
    %dma_wait3A_458 = arith.constant 0 : i32
    %dma_wait3A_459 = tpu.memref_slice %arg3[%add3A_228, %dma_wait3A_457, %dma_wait3A_458] : memref<512x512x128xf32, #tpu.memory_space<hbm>> -> memref<1x512x128xf32, #tpu.memory_space<hbm>>
    %dma_wait3A_460 = tpu.memref_squeeze %dma_wait3A_459 : memref<1x512x128xf32, #tpu.memory_space<hbm>> -> memref<512x128xf32, #tpu.memory_space<hbm>>
    %dma_wait3A_461 = arith.constant 0 : i32
    %dma_wait3A_462 = arith.constant 0 : i32
    %dma_wait3A_463 = tpu.memref_slice %arg3[%add3A_228, %dma_wait3A_461, %dma_wait3A_462] : memref<512x512x128xf32, #tpu.memory_space<hbm>> -> memref<1x512x128xf32, #tpu.memory_space<hbm>>
    %dma_wait3A_464 = tpu.memref_squeeze %dma_wait3A_463 : memref<1x512x128xf32, #tpu.memory_space<hbm>> -> memref<512x128xf32, #tpu.memory_space<hbm>>
    %dma_wait3A_465 = arith.constant 1 : i32
    %dma_wait3A_466 = arith.constant 0 : i32
    %dma_wait3A_467 = tpu.memref_slice %arg4[%dma_wait3A_465, %dma_wait3A_466] : memref<528x128xf32, #tpu.memory_space<vmem>> -> memref<512x128xf32, #tpu.memory_space<vmem>>
    tpu.wait_dma2 semaphore(%arg5 : memref<!tpu.dma_semaphore, #tpu.memory_space<semaphore_mem>>) src(%dma_wait3A_467 : memref<512x128xf32, #tpu.memory_space<vmem>>) dst(%dma_wait3A_464 : memref<512x128xf32, #tpu.memory_space<hbm>>)
    %dma_wait3A_468 = arith.constant 0 : i32
    %dma_wait3A_469 = arith.constant 0 : i32
    %dma_wait3A_470 = tpu.memref_slice %arg4[%dma_wait3A_468, %dma_wait3A_469] : memref<528x128xf32, #tpu.memory_space<vmem>> -> memref<512x128xf32, #tpu.memory_space<vmem>>
    %dma_wait3A_471 = arith.constant 0 : i32
    %dma_wait3A_472 = arith.constant 0 : i32
    %dma_wait3A_473 = tpu.memref_slice %arg3[%add3A_244, %dma_wait3A_471, %dma_wait3A_472] : memref<512x512x128xf32, #tpu.memory_space<hbm>> -> memref<1x512x128xf32, #tpu.memory_space<hbm>>
    %dma_wait3A_474 = tpu.memref_squeeze %dma_wait3A_473 : memref<1x512x128xf32, #tpu.memory_space<hbm>> -> memref<512x128xf32, #tpu.memory_space<hbm>>
    %dma_wait3A_475 = arith.constant 0 : i32
    %dma_wait3A_476 = arith.constant 0 : i32
    %dma_wait3A_477 = tpu.memref_slice %arg3[%add3A_244, %dma_wait3A_475, %dma_wait3A_476] : memref<512x512x128xf32, #tpu.memory_space<hbm>> -> memref<1x512x128xf32, #tpu.memory_space<hbm>>
    %dma_wait3A_478 = tpu.memref_squeeze %dma_wait3A_477 : memref<1x512x128xf32, #tpu.memory_space<hbm>> -> memref<512x128xf32, #tpu.memory_space<hbm>>
    %dma_wait3A_479 = arith.constant 0 : i32
    %dma_wait3A_480 = arith.constant 0 : i32
    %dma_wait3A_481 = tpu.memref_slice %arg4[%dma_wait3A_479, %dma_wait3A_480] : memref<528x128xf32, #tpu.memory_space<vmem>> -> memref<512x128xf32, #tpu.memory_space<vmem>>
    tpu.wait_dma2 semaphore(%arg5 : memref<!tpu.dma_semaphore, #tpu.memory_space<semaphore_mem>>) src(%dma_wait3A_481 : memref<512x128xf32, #tpu.memory_space<vmem>>) dst(%dma_wait3A_478 : memref<512x128xf32, #tpu.memory_space<hbm>>)
    return
  }
}

module attributes {stable_mosaic.version = 14 : i64} {
  func.func @_table_body(%arg0: memref<257x128xf32, #tpu.memory_space<vmem>>, %arg1: memref<3x128xf32, #tpu.memory_space<vmem>>, %arg2: memref<256x128xf32, #tpu.memory_space<vmem>>, %arg3: memref<1x128xf32, #tpu.memory_space<vmem>>, %arg4: memref<1024x128xf32, #tpu.memory_space<vmem>>) attributes {dimension_semantics = [], scalar_prefetch = 0 : i64, scratch_operands = 0 : i64, tpu.core_type = #tpu.core_type<tc>} {
    %get3A = arith.constant 0 : index
    %get3A_0 = arith.constant 0 : index
    %get3A_1 = vector.load %arg0[%get3A, %get3A_0] : memref<257x128xf32, #tpu.memory_space<vmem>>, vector<257x128xf32>
    %get3A_2 = arith.constant 0 : index
    %get3A_3 = arith.constant 0 : index
    %get3A_4 = vector.load %arg2[%get3A_2, %get3A_3] : memref<256x128xf32, #tpu.memory_space<vmem>>, vector<128x128xf32>
    %get3A_5 = arith.constant 128 : index
    %get3A_6 = arith.constant 0 : index
    %get3A_7 = vector.load %arg2[%get3A_5, %get3A_6] : memref<256x128xf32, #tpu.memory_space<vmem>>, vector<128x128xf32>
    %dot_general3A = arith.constant dense<0.000000e+00> : vector<257x128xf32>
    %dot_general3A_8 = tpu.matmul %get3A_1, %get3A_4, %dot_general3A {dimension_numbers = #tpu.dot_dimension_numbers<[1], [0], [0], [1], [0, 0, 1, 1], [], []>, transpose_lhs_hint = false} : vector<257x128xf32>, vector<128x128xf32>, vector<257x128xf32> -> vector<257x128xf32>
    %get3A_9 = arith.constant 0 : index
    %get3A_10 = arith.constant 0 : index
    %get3A_11 = vector.load %arg1[%get3A_9, %get3A_10] : memref<3x128xf32, #tpu.memory_space<vmem>>, vector<3x128xf32>
    %dot_general3A_12 = arith.constant dense<0.000000e+00> : vector<3x128xf32>
    %dot_general3A_13 = tpu.matmul %get3A_11, %get3A_7, %dot_general3A_12 {dimension_numbers = #tpu.dot_dimension_numbers<[1], [0], [0], [1], [0, 0, 1, 1], [], []>, transpose_lhs_hint = false} : vector<3x128xf32>, vector<128x128xf32>, vector<3x128xf32> -> vector<3x128xf32>
    %iota3A = tpu.iota {dimensions = array<i32: 0>} : vector<257x1xi32>
    %lt3A = arith.constant 128 : i32
    %lt3A_14 = vector.broadcast %lt3A : i32 to vector<257x1xi32>
    %lt3A_15 = arith.cmpi slt, %iota3A, %lt3A_14 : vector<257x1xi32>
    %slice3A = vector.extract_strided_slice %dot_general3A_13 {offsets = [0, 0], sizes = [1, 128], strides = [1, 1]} : vector<3x128xf32> to vector<1x128xf32>
    %eq3A = arith.constant 128 : i32
    %eq3A_16 = vector.broadcast %eq3A : i32 to vector<257x1xi32>
    %eq3A_17 = arith.cmpi eq, %iota3A, %eq3A_16 : vector<257x1xi32>
    %slice3A_18 = vector.extract_strided_slice %dot_general3A_13 {offsets = [1, 0], sizes = [1, 128], strides = [1, 1]} : vector<3x128xf32> to vector<1x128xf32>
    %slice3A_19 = vector.extract_strided_slice %dot_general3A_13 {offsets = [2, 0], sizes = [1, 128], strides = [1, 1]} : vector<3x128xf32> to vector<1x128xf32>
    %broadcast_in_dim3A = vector.shape_cast %eq3A_17 : vector<257x1xi1> to vector<257x1xi1>
    %broadcast_in_dim3A_20 = vector.broadcast %broadcast_in_dim3A : vector<257x1xi1> to vector<257x128xi1>
    %broadcast_in_dim3A_21 = vector.shape_cast %slice3A_18 : vector<1x128xf32> to vector<1x128xf32>
    %broadcast_in_dim3A_22 = vector.broadcast %broadcast_in_dim3A_21 : vector<1x128xf32> to vector<257x128xf32>
    %broadcast_in_dim3A_23 = vector.shape_cast %slice3A_19 : vector<1x128xf32> to vector<1x128xf32>
    %broadcast_in_dim3A_24 = vector.broadcast %broadcast_in_dim3A_23 : vector<1x128xf32> to vector<257x128xf32>
    %select_n3A = arith.select %broadcast_in_dim3A_20, %broadcast_in_dim3A_22, %broadcast_in_dim3A_24 : vector<257x128xi1>, vector<257x128xf32>
    %broadcast_in_dim3A_25 = vector.shape_cast %lt3A_15 : vector<257x1xi1> to vector<257x1xi1>
    %broadcast_in_dim3A_26 = vector.broadcast %broadcast_in_dim3A_25 : vector<257x1xi1> to vector<257x128xi1>
    %broadcast_in_dim3A_27 = vector.shape_cast %slice3A : vector<1x128xf32> to vector<1x128xf32>
    %broadcast_in_dim3A_28 = vector.broadcast %broadcast_in_dim3A_27 : vector<1x128xf32> to vector<257x128xf32>
    %select_n3A_29 = arith.select %broadcast_in_dim3A_26, %broadcast_in_dim3A_28, %select_n3A : vector<257x128xi1>, vector<257x128xf32>
    %add3A = arith.addf %dot_general3A_8, %select_n3A_29 : vector<257x128xf32>
    %get3A_30 = arith.constant 0 : index
    %get3A_31 = arith.constant 0 : index
    %get3A_32 = vector.load %arg3[%get3A_30, %get3A_31] : memref<1x128xf32, #tpu.memory_space<vmem>>, vector<1x128xf32>
    %add3A_33 = vector.broadcast %get3A_32 : vector<1x128xf32> to vector<257x128xf32>
    %add3A_34 = arith.addf %add3A, %add3A_33 : vector<257x128xf32>
    %iota3A_35 = tpu.iota {dimensions = array<i32: 0>} : vector<1024x257xi32>
    %iota3A_36 = tpu.iota {dimensions = array<i32: 1>} : vector<1024x257xi32>
    %sub3A = arith.constant 639 : i32
    %sub3A_37 = vector.broadcast %sub3A : i32 to vector<1024x257xi32>
    %sub3A_38 = arith.subi %sub3A_37, %iota3A_35 : vector<1024x257xi32>
    %jit3A = arith.constant 0 : i32
    %jit3A_39 = arith.constant 256 : i32
    %max3A = vector.broadcast %jit3A : i32 to vector<1024x257xi32>
    %max3A_40 = arith.maxsi %max3A, %sub3A_38 : vector<1024x257xi32>
    %min3A = vector.broadcast %jit3A_39 : i32 to vector<1024x257xi32>
    %min3A_41 = arith.minsi %min3A, %max3A_40 : vector<1024x257xi32>
    %eq3A_42 = arith.cmpi eq, %iota3A_36, %min3A_41 : vector<1024x257xi32>
    %convert_element_type3A = arith.extui %eq3A_42 : vector<1024x257xi1> to vector<1024x257xi32>
    %convert_element_type3A_43 = arith.sitofp %convert_element_type3A : vector<1024x257xi32> to vector<1024x257xf32>
    %dot_general3A_44 = arith.constant dense<0.000000e+00> : vector<1024x128xf32>
    %dot_general3A_45 = tpu.matmul %convert_element_type3A_43, %add3A_34, %dot_general3A_44 {dimension_numbers = #tpu.dot_dimension_numbers<[1], [0], [0], [1], [0, 0, 1, 1], [], []>, transpose_lhs_hint = false} : vector<1024x257xf32>, vector<257x128xf32>, vector<1024x128xf32> -> vector<1024x128xf32>
    %swap3A = arith.constant 0 : index
    %swap3A_46 = arith.constant 0 : index
    %swap3A_47 = vector.load %arg4[%swap3A, %swap3A_46] : memref<1024x128xf32, #tpu.memory_space<vmem>>, vector<1024x128xf32>
    tpu.vector_store %arg4[%swap3A, %swap3A_46], %dot_general3A_45 {strides = array<i32>} : memref<1024x128xf32, #tpu.memory_space<vmem>>, vector<1024x128xf32>,
    return
  }
}

</mosaic_0001>

<sc_bundles>
// kernel: kernel.4.cloned.1.call-start
scs
__scs_entry_jumppad:
0x0: {  	(pc) =	sbr.rel $0x88, $3  }
0x1: {  	(tag) =	ssettag $0x0;
	lr =	simm.s32 $0x1  }
0x2: {  	[smem:$0x3F9D] =	sst lr;
	_ =	strace $0xD0000000  }
0x3: {  	_ = 	snop  }
0x4: {  	_ = 	snop  }
0x5: {  	_ = 	snop  }
0x6: {  	_ = 	snop  }
0x7: {  	_ = 	snop  }
__scs_overlays_trampoline_lowered:
0x8: {  	[smem:$0x3FAC] =	sst s0  }
0x9: {  	[smem:$0x3FAD] =	sst s1  }
0xa: {  	[smem:$0x3FAE] =	sst s2  }
0xb: {  	[smem:$0x3FAF] =	sst s3  }
0xc: {  	[smem:$0x3FB0] =	sst s4  }
0xd: {  	[smem:$0x3FB1] =	sst s5  }
0xe: {  	[smem:$0x3FB2] =	sst s6  }
0xf: {  	[smem:$0x3FB3] =	sst s7  }
0x10: {  	[smem:$0x3FB4] =	sst s8  }
0x11: {  	[smem:$0x3FB5] =	sst s9;
	s0 =	simm.s32 @!p0 $0x0  }
0x12: {  	s1 =	sld [smem:$0x3F9B];
	s0 =	simm.s32 @p0 $0x1  }
0x13: {  	[smem:$0x3FB6] =	sst s0;
	s0 =	simm.s32 @!p1 $0x0  }
0x14: {  	s2 =	sld [smem:$0x3F9A];
	s0 =	simm.s32 @p1 $0x1  }
0x15: {  	[smem:$0x3FB7] =	sst s0;
	s0 =	simm.s32 @!p2 $0x0  }
0x16: {  	s3 =	sld [smem:$0x3FDB];
	s0 =	simm.s32 @p2 $0x1  }
0x17: {  	s4 =	simm.s32 $0x1BF5;
	[smem:$0x3FB9] =	sst s0  }
0x18: {  	s0 =	sld [smem:$0x3F9C];
	_ =	swait.ge [sflag:s4], $0x0  }
0x19: {  	s7 =	sld [smem:$0x3F9D]  }
0x1a: {  	s8 =	sadd.s32 $0xFFFFE003, lr  }
0x1b: {  	s9 =	sadd.s32 $0xFFFFFEF7, lr;
	s5 =	simm.s32 $0xFFFFFFFF;
	p2 =	slt.u32 s8, $0xFFFFF086  }
0x1c: {  	p1 =	slt.u32 s9, $0xF7A;
	s5 =	simm.s32 @!p2 $0x0  }
0x1d: {  	s5 =	simm.s32 @p1 $0x1;
	p0 =	seq.s32 s7, s2  }
0x1e: {  	s7 =	smul.u32 @!p0 $0xF7A, s2;
	p2 =	seq.s32 @!p0 s5, $0x0  }
0x1f: {  	s9 =	smul.u32 $0xF7A, s1;
	s8 =	simm.s32 @!p0 $0x1BF5;
	p2 =	por !p2, p0  }
0x20: {  	[sflag:s8] =	ssyncset.s32 @!p0 $0xFFFFF086;
	s6 =	sadd.s32 @!p0 s3, s7;
	s7 =	simm.s32 @!p0 $0x108  }
0x21: {  	s3 =	sadd.s32 s3, s9;
	s6 =	sadd.s32 @!p0 $0x88, s6;
	s7 =	simm.s32 @p2 $0x1082  }
0x22: {  	[simem:s7], [sflag:s8] =	dma.local @!p0 [hbm:s6], $0xF7A  }
0x23: {  	s9 =	sor.u32 $0xD0000000, s2;
	s6 =	simm.s32 $0x108;
	_ =	swait.ge @!p0 [sflag:s8], $0x0  }
0x24: {  	s3 =	sadd.s32 $0x88, s3;
	s6 =	simm.s32 @!p1 $0x1082;
	[sflag:s4] =	ssyncset.s32 $0xFFFFF086  }
0x25: {  	[simem:s6], [sflag:s4] =	dma.local [hbm:s3], $0xF7A  }
0x26: {  	[smem:$0x3F9D] =	sst s1;
	(tag) =	ssettag s2;
	_ =	strace s9  }
0x27: {  	s1 =	sld [smem:$0x3FAD]  }
0x28: {  	s2 =	sld [smem:$0x3FAE]  }
0x29: {  	s4 =	sld [smem:$0x3FB0]  }
0x2a: {  	p0 =	seq.s32 s5, $0x0;
	s5 =	sld [smem:$0x3FB1]  }
0x2b: {  	s6 =	sld [smem:$0x3FB2]  }
0x2c: {  	s7 =	sld [smem:$0x3FB3]  }
0x2d: {  	s3 =	simm.s32 $0x108;
	s8 =	sld [smem:$0x3FB4]  }
0x2e: {  	s3 =	simm.s32 @!p0 $0x1082;
	s9 =	sld [smem:$0x3FB5]  }
0x2f: {  	lr =	sadd.s32 s0, s3;
	s0 =	sld [smem:$0x3FAC]  }
0x30: {  	s3 =	sld [smem:$0x3FAF]  }
0x31: {  	[smem:$0x3FB8] =	sst s10  }
0x32: {  	s10 =	sld [smem:$0x3FB6];
	_ =	sdelay $0x3  }
0x33: {  	p0 =	seq.s32 s10, $0x1;
	s10 =	sld [smem:$0x3FB8];
	_ =	sdelay $0x3  }
0x34: {  	[smem:$0x3FB8] =	sst s10  }
0x35: {  	s10 =	sld [smem:$0x3FB7];
	_ =	sdelay $0x3  }
0x36: {  	p1 =	seq.s32 s10, $0x1;
	s10 =	sld [smem:$0x3FB8];
	_ =	sdelay $0x3  }
0x37: {  	[smem:$0x3FB8] =	sst s10  }
0x38: {  	s10 =	sld [smem:$0x3FB9]  }
0x39: {  	_ = 	snop;
	(pc) =	sbr.ind lr, $3  }
0x3a: {  	_ = 	snop  }
0x3b: {  	_ = 	snop  }
0x3c: {  	p2 =	seq.s32 s10, $0x1;
	s10 =	sld [smem:$0x3FB8]  }
0x3d: {  	_ =	shalt  }
0x3e: {  	_ =	shalt  }
0x3f: {  	_ =	shalt  }
0x40: {  	_ =	shalt  }
0x41: {  	_ =	shalt  }
0x42: {  	_ =	shalt  }
0x43: {  	_ =	shalt  }
0x44: {  	_ =	shalt  }
0x45: {  	_ =	shalt  }
0x46: {  	_ =	shalt  }
0x47: {  	_ =	shalt  }
0x48: {  	_ =	shalt  }
0x49: {  	_ =	shalt  }
0x4a: {  	_ =	shalt  }
0x4b: {  	_ =	shalt  }
0x4c: {  	_ =	shalt  }
0x4d: {  	_ =	shalt  }
0x4e: {  	_ =	shalt  }
0x4f: {  	_ =	shalt  }
0x50: {  	_ =	shalt  }
0x51: {  	_ =	shalt  }
0x52: {  	_ =	shalt  }
0x53: {  	_ =	shalt  }
0x54: {  	_ =	shalt  }
0x55: {  	_ =	shalt  }
0x56: {  	_ =	shalt  }
0x57: {  	_ =	shalt  }
0x58: {  	_ =	shalt  }
0x59: {  	_ =	shalt  }
0x5a: {  	_ =	shalt  }
0x5b: {  	_ =	shalt  }
0x5c: {  	_ =	shalt  }
0x5d: {  	_ =	shalt  }
0x5e: {  	_ =	shalt  }
0x5f: {  	_ =	shalt  }
0x60: {  	_ =	shalt  }
0x61: {  	_ =	shalt  }
0x62: {  	_ =	shalt  }
0x63: {  	_ =	shalt  }
0x64: {  	_ =	shalt  }
0x65: {  	_ =	shalt  }
0x66: {  	_ =	shalt  }
0x67: {  	_ =	shalt  }
0x68: {  	_ =	shalt  }
0x69: {  	_ =	shalt  }
0x6a: {  	_ =	shalt  }
0x6b: {  	_ =	shalt  }
0x6c: {  	_ =	shalt  }
0x6d: {  	_ =	shalt  }
0x6e: {  	_ =	shalt  }
0x6f: {  	_ =	shalt  }
0x70: {  	_ =	shalt  }
0x71: {  	_ =	shalt  }
0x72: {  	_ =	shalt  }
0x73: {  	_ =	shalt  }
0x74: {  	_ =	shalt  }
0x75: {  	_ =	shalt  }
0x76: {  	_ =	shalt  }
0x77: {  	_ =	shalt  }
0x78: {  	_ =	shalt  }
0x79: {  	_ =	shalt  }
0x7a: {  	_ =	shalt  }
0x7b: {  	_ =	shalt  }
0x7c: {  	_ =	shalt  }
0x7d: {  	_ =	shalt  }
0x7e: {  	_ =	shalt  }
0x7f: {  	_ =	shalt  }
0x80: {  	_ =	shalt  }
0x81: {  	_ =	shalt  }
0x82: {  	_ =	shalt  }
0x83: {  	_ =	shalt  }
0x84: {  	_ =	shalt  }
0x85: {  	_ =	shalt  }
0x86: {  	_ =	shalt  }
0x87: {  	_ =	shalt  }
.Lfunc_end0:
.L_simem_size_0:
called_computation_lowered:
.L_overlay_start_0:
0x88: {  	s2 =	sld [smem:$0x3FD9]  }
0x89: {  	s3 =	sld [smem:$0x3FFE];
	_ =	sdelay $0x1  }
0x8a: {  	s1 =	srdreg.scid  }
0x8b: {  	s0 =	sand.u32 $0x1, s1  }
0x8c: {  	s17 =	sshll.u32 s0, $0xA;
	s2 =	sadd.s32 s3, s2  }
0x8d: {  	s2 =	sadd.s32 s2, s17  }
0x8e: {  	[smem:$0x3FC4] =	sst s2  }
0x8f: {  	_ = 	snop  }
0x90: {  	s2 =	sld [smem:$0x3FD0];
	(tm) =	ssettm $0x1  }
0x91: {  	s18 =	sld [smem:$0x3FFB];
	_ =	sdelay $0x3  }
0x92: {  	_ =	strace s18  }
0x93: {  	s3 =	sld [smem:$0x3FFC];
	_ =	sdelay $0x3  }
0x94: {  	_ =	strace s3  }
0x95: {  	s3 =	sld [smem:$0x3FFD];
	_ =	sdelay $0x3  }
0x96: {  	_ =	strace s3  }
0x97: {  	_ =	strace $0x8FFFFFFF  }
0x98: {  	s19 =	sld [smem:$0x3FDB];
	_ =	sdelay $0x1  }
0x99: {  	s4 =	simm.s32 $_scs_section_size  }
0x9a: {  	s5 =	simm.s32 $_size__tile_overlayer_lowered;
	s6 =	simm.s32 $_tile_overlayer_lowered  }
0x9b: {  	s22 =	simm.s32 $0x1BFF;
	s21 =	sshll.u32 s6, $0x1;
	s3 =	sadd.s32 s4, s19  }
0x9c: {  	s7 =	simm.s32 $0x0;
	s20 =	sshll.u32 s5, $0x1;
	s5 =	sadd.s32 s21, s3  }
0x9d: {  	[timem:s7], [sflag:s22] =	dma.local [hbm:s5], s20  }
0x9e: {  	_ =	swait.ge [sflag:s22], s20  }
0x9f: {  	s4 =	ssub.s32 $0x0, s20;
	[sflag:s22] =	ssyncset.done $0x0  }
0xa0: {  	[sflag:s22] =	ssyncadd.s32 s4;
	_ =	sdelay $0x1  }
0xa1: {  	s23 =	simm.s32 $0x1B8B  }
0xa2: {  	_ =	swait.ge [sflag:s23], $0x1  }
0xa3: {  	[sflag:s23] =	ssyncset.done $0x0  }
0xa4: {  	s25 =	simm.s32 $0x1B8E;
	s24 =	sld [smem:$0x3FFE];
	[sflag:s23] =	ssyncadd.s32 $0xFFFFFFFF  }
0xa5: {  	s26 =	simm.s32 $execute0_lowered;
	[smem:$0x3FD2] =	sst s25  }
0xa6: {  	s5 =	sshll.u32 s26, $0x1;
	_ =	strace $0x80000046;
	[dreg:$0x1] =	wrdreg $0xFFFFFFFF  }
0xa7: {  	s28 =	simm.s32 $_size_execute0_lowered;
	s3 =	sadd.s32 s3, s5;
	[dreg:$0x0] =	wrdreg $0x0  }
0xa8: {  	s5 =	sshll.u32 s28, $0x1;
	[dreg:$0x2] =	wrdreg s3  }
0xa9: {  	[dreg:$0x3] =	wrdreg s5  }
0xaa: {  	[dreg:$0x4] =	wrdreg $0xC0  }
0xab: {  	_ =	task [dreg:s7], $0x5FFFF  }
0xac: {  	[dreg:$0x1] =	wrdreg $0xFFFFFFFF  }
0xad: {  	[dreg:$0x0] =	wrdreg $0x60  }
0xae: {  	[dreg:$0x2] =	wrdreg s24  }
0xaf: {  	[dreg:$0x3] =	wrdreg s2  }
0xb0: {  	[dreg:$0x4] =	wrdreg $0x9  }
0xb1: {  	_ =	task.clear_ibuf [dreg:s7], $0x5FFFF;
	_ =	strace $0x90000046  }
0xb2: {  	s29 =	simm.s32 $0x9;
	_ =	strace $0x80000048  }
0xb3: {  	_ =	swait.ge [sflag:s29], $0x1  }
0xb4: {  	[sflag:s29] =	ssyncadd.s32 $0xFFFFFFFF  }
0xb5: {  	_ =	strace $0x90000048  }
0xb6: {  	_ =	sfence  }
0xb7: {  	s30 =	sld [smem:$0x0];
	_ =	sdelay $0x2  }
0xb8: {  	s31 =	sshll.u32 s1, $0xD;
	s1 =	sshrl.u32 s1, $0x2  }
0xb9: {  	s3 =	sand.u32 $0x4000, s31;
	s1 =	sadd.s32 s1, s30  }
0xba: {  	s0 =	sor.u32 s3, s0;
	s1 =	sshll.u32 s1, $0x11  }
0xbb: {  	s0 =	sor.u32 s1, s0  }
0xbc: {  	s0 =	sadd.s32 $0x8F2B, s0  }
0xbd: {  	[sflag:s0] =	ssyncadd.remote.s32 $0x1  }
0xbe: {  	_ =	sfence.sel $0xFFFF  }
0xbf: {  	[dreg:$0x0] =	wrdreg $0xFFFFFFFF;
	(pc) =	sbr.abs _section_cstart, $3  }
0xc0: {  	[dreg:$0x1] =	wrdreg $0xFFFFFFFF  }
0xc1: {  	_ =	task.clear_ibuf [dreg:s7], $0x2FFFF;
	_ =	strace $0x9FFFFFFF  }
0xc2: {  	(tm) =	ssettm $0x7FFFFFFF  }
0xc3: {  	_ =	shalt  }
tec
execute0_lowered:
.L_overlay_start_1:
0x0: {  	(tag) =	ssettag $0x1  }
0x1: {  	s0 =	srdreg.scid;
	s3 =	rddreg [dreg:$0x0]  }
0x2: {  	s15 =	stileid.u32;
	s4 =	rddreg [dreg:$0x1];
	s31 =	simm.s32 $0x2  }
0x3: {  	s18 =	simm.s32 $0x480;
	s19 =	simm.s32 $0x400;
	s20 =	simm.s32 $0x380  }
0x4: {  	s21 =	simm.s32 $0x300;
	p0 =	por $0x0, $0x0;
	s28 =	simm.s32 $0x180  }
0x5: {  	s29 =	simm.s32 $0x100;
	s30 =	simm.s32 $0x80;
	s0 =	sand.u32 $0x1, s0  }
0x6: {  	s1 =	sshll.u32 s15, $0x5;
	s2 =	sshll.u32 s0, $0x4;
	s0 =	ssub.s32 $0x2, s0  }
0x7: {  	s1 =	sor.u32 s2, s1;
	s2 =	simm.s32 $0x0;
	s24 =	sshrl.u32 s0, $0x1  }
0x8: {  	s5 =	sshll.u32 s1, $0x4;
	[smem:$0x7FF] =	sst s2;
	s1 =	sshll.u32 s1, $0xD  }
0x9: {  	s0 =	ssub.s32 s0, s24;
	s24 =	simm.s32 $0x700;
	s5 =	sxor.u32 $0x1F00, s5  }
0xa: {  	_ =	strace $0x80000047;
	s4 =	sadd.s32 s4, s1;
	s0 =	smax.u32 s0, $0x1  }
0xb: {  	s3 =	sadd.s32 s5, s3;
	s1 =	sadd.s32 $0x2000, s4;
	s22 =	sadd.s32 $0x4000, s4  }
0xc: {  	s23 =	sadd.s32 $0x6000, s4;
	s25 =	sadd.s32 $0x8000, s4;
	s26 =	sadd.s32 $0xA000, s4  }
0xd: {  	s5 =	sadd.s32 $0xC000, s4;
	s6 =	sadd.s32 $0xE000, s4;
	s7 =	sadd.s32 $0x10000, s4  }
0xe: {  	s8 =	sadd.s32 $0x12000, s4;
	s9 =	sadd.s32 $0x14000, s4;
	s10 =	sadd.s32 $0x16000, s4  }
0xf: {  	s11 =	sadd.s32 $0x18000, s4;
	s12 =	sadd.s32 $0x1A000, s4;
	[dreg:$0x4] =	wrdreg s1  }
0x10: {  	s13 =	sadd.s32 $0x1C000, s4;
	p1 =	sne.s32 s0, $0x1;
	[dreg:$0x5] =	wrdreg s22  }
.Ltmp0:
0x11: {  	s14 =	sadd.s32 $0x1E000, s4;
	[dreg:$0x6] =	wrdreg s23;
	(pc) =	sbr.rel @!p1 .LBB2_1-.Ltmp0, $4  }
0x12: {  	s17 =	sadd.s32 $0xFFFFFFFF, s0;
	s3 =	sadd.s32 $0xE00, s3;
	[dreg:$0x7] =	wrdreg s25  }
0x13: {  	[dreg:$0x8] =	wrdreg s26;
	s1 =	simm.s32 $0x780;
	s23 =	simm.s32 $0x680  }
0x14: {  	s22 =	simm.s32 $0x600;
	s25 =	simm.s32 $0x280;
	[dreg:$0x3] =	wrdreg s3  }
0x15: {  	s26 =	simm.s32 $0x200;
	s3 =	simm.s32 $0x1;
	s0 =	rddreg [dreg:$0x3]  }
0x16: {  	[tilespmem:s2], [sflag:$0x2] =	stream.linear.gather [hbm4b:s0+s2], $0x10800, $0x38;
	[tilespmem:$0x10800] =	vst v63  }
0x17: {  	_ =	swait.ge [sflag:s31], $0x10800  }
0x18: {  	[sflag:s31] =	ssyncset.done $0x0  }
0x19: {  	[sflag:s31] =	ssyncadd.s32 $0xFFFEF800  }
0x1a: {  	[hbm4b:s4+s2] =	stream.linear.scatter [tilespmem:s1], [sflag:$0x1], $0x10000, $0x38;
	[tilespmem:$0x10800] =	vst v63  }
0x1b: {  	s15 =	rddreg [dreg:$0x4]  }
0x1c: {  	[hbm4b:s15+s2] =	stream.linear.scatter [tilespmem:s24], [sflag:$0x1], $0x10000, $0x38;
	[tilespmem:$0x10800] =	vst v63  }
0x1d: {  	s1 =	rddreg [dreg:$0x5]  }
0x1e: {  	[hbm4b:s1+s2] =	stream.linear.scatter [tilespmem:s23], [sflag:$0x1], $0x10000, $0x38;
	[tilespmem:$0x10800] =	vst v63  }
0x1f: {  	s15 =	rddreg [dreg:$0x6]  }
0x20: {  	[hbm4b:s15+s2] =	stream.linear.scatter [tilespmem:s22], [sflag:$0x1], $0x10000, $0x38;
	[tilespmem:$0x10800] =	vst v63  }
0x21: {  	s1 =	rddreg [dreg:$0x7];
	s15 =	simm.s32 $0x580  }
0x22: {  	[hbm4b:s1+s2] =	stream.linear.scatter [tilespmem:s15], [sflag:$0x1], $0x10000, $0x38;
	[tilespmem:$0x10800] =	vst v63  }
0x23: {  	s0 =	rddreg [dreg:$0x8];
	s15 =	simm.s32 $0x500  }
0x24: {  	[hbm4b:s0+s2] =	stream.linear.scatter [tilespmem:s15], [sflag:$0x1], $0x10000, $0x38;
	[tilespmem:$0x10800] =	vst v63  }
0x25: {  	_ = 	snop  }
0x26: {  	[hbm4b:s5+s2] =	stream.linear.scatter [tilespmem:s18], [sflag:$0x1], $0x10000, $0x38;
	[tilespmem:$0x10800] =	vst v63  }
0x27: {  	_ = 	snop  }
0x28: {  	[hbm4b:s6+s2] =	stream.linear.scatter [tilespmem:s19], [sflag:$0x1], $0x10000, $0x38;
	[tilespmem:$0x10800] =	vst v63  }
0x29: {  	_ = 	snop  }
0x2a: {  	[hbm4b:s7+s2] =	stream.linear.scatter [tilespmem:s20], [sflag:$0x1], $0x10000, $0x38;
	[tilespmem:$0x10800] =	vst v63  }
0x2b: {  	_ = 	snop  }
0x2c: {  	[hbm4b:s8+s2] =	stream.linear.scatter [tilespmem:s21], [sflag:$0x1], $0x10000, $0x38;
	[tilespmem:$0x10800] =	vst v63  }
0x2d: {  	_ = 	snop  }
0x2e: {  	[hbm4b:s9+s2] =	stream.linear.scatter [tilespmem:s25], [sflag:$0x1], $0x10000, $0x38;
	[tilespmem:$0x10800] =	vst v63  }
0x2f: {  	_ = 	snop  }
0x30: {  	[hbm4b:s10+s2] =	stream.linear.scatter [tilespmem:s26], [sflag:$0x1], $0x10000, $0x38;
	[tilespmem:$0x10800] =	vst v63  }
0x31: {  	_ = 	snop  }
0x32: {  	[hbm4b:s11+s2] =	stream.linear.scatter [tilespmem:s28], [sflag:$0x1], $0x10000, $0x38;
	[tilespmem:$0x10800] =	vst v63  }
0x33: {  	_ = 	snop  }
0x34: {  	[hbm4b:s12+s2] =	stream.linear.scatter [tilespmem:s29], [sflag:$0x1], $0x10000, $0x38;
	[tilespmem:$0x10800] =	vst v63  }
0x35: {  	_ = 	snop  }
0x36: {  	[hbm4b:s13+s2] =	stream.linear.scatter [tilespmem:s30], [sflag:$0x1], $0x10000, $0x38;
	[tilespmem:$0x10800] =	vst v63  }
0x37: {  	_ = 	snop  }
0x38: {  	[hbm4b:s14+s2] =	stream.linear.scatter [tilespmem:s2], [sflag:$0x1], $0x10000, $0x38;
	[tilespmem:$0x10800] =	vst v63  }
0x39: {  	_ =	swait.ge [sflag:s3], $0x10000  }
0x3a: {  	[sflag:s3] =	ssyncset.done $0x0  }
0x3b: {  	[sflag:s3] =	ssyncadd.s32 $0xFFFF0000  }
0x3c: {  	_ =	swait.ge [sflag:s3], $0x10000  }
0x3d: {  	[sflag:s3] =	ssyncset.done $0x0  }
0x3e: {  	[sflag:s3] =	ssyncadd.s32 $0xFFFF0000  }
0x3f: {  	_ =	swait.ge [sflag:s3], $0x10000  }
0x40: {  	[sflag:s3] =	ssyncset.done $0x0  }
0x41: {  	[sflag:s3] =	ssyncadd.s32 $0xFFFF0000  }
0x42: {  	_ =	swait.ge [sflag:s3], $0x10000  }
0x43: {  	[sflag:s3] =	ssyncset.done $0x0  }
0x44: {  	[sflag:s3] =	ssyncadd.s32 $0xFFFF0000  }
0x45: {  	_ =	swait.ge [sflag:s3], $0x10000  }
0x46: {  	[sflag:s3] =	ssyncset.done $0x0  }
0x47: {  	[sflag:s3] =	ssyncadd.s32 $0xFFFF0000  }
0x48: {  	_ =	swait.ge [sflag:s3], $0x10000  }
0x49: {  	[sflag:s3] =	ssyncset.done $0x0  }
0x4a: {  	[sflag:s3] =	ssyncadd.s32 $0xFFFF0000  }
0x4b: {  	_ =	swait.ge [sflag:s3], $0x10000  }
0x4c: {  	[sflag:s3] =	ssyncset.done $0x0  }
0x4d: {  	[sflag:s3] =	ssyncadd.s32 $0xFFFF0000  }
0x4e: {  	_ =	swait.ge [sflag:s3], $0x10000  }
0x4f: {  	[sflag:s3] =	ssyncset.done $0x0  }
0x50: {  	[sflag:s3] =	ssyncadd.s32 $0xFFFF0000  }
0x51: {  	_ =	swait.ge [sflag:s3], $0x10000  }
0x52: {  	[sflag:s3] =	ssyncset.done $0x0  }
0x53: {  	[sflag:s3] =	ssyncadd.s32 $0xFFFF0000  }
0x54: {  	_ =	swait.ge [sflag:s3], $0x10000  }
0x55: {  	[sflag:s3] =	ssyncset.done $0x0  }
0x56: {  	[sflag:s3] =	ssyncadd.s32 $0xFFFF0000  }
0x57: {  	_ =	swait.ge [sflag:s3], $0x10000  }
0x58: {  	[sflag:s3] =	ssyncset.done $0x0  }
0x59: {  	[sflag:s3] =	ssyncadd.s32 $0xFFFF0000  }
0x5a: {  	_ =	swait.ge [sflag:s3], $0x10000  }
0x5b: {  	[sflag:s3] =	ssyncset.done $0x0  }
0x5c: {  	[sflag:s3] =	ssyncadd.s32 $0xFFFF0000  }
0x5d: {  	_ =	swait.ge [sflag:s3], $0x10000  }
0x5e: {  	[sflag:s3] =	ssyncset.done $0x0  }
0x5f: {  	[sflag:s3] =	ssyncadd.s32 $0xFFFF0000  }
0x60: {  	_ =	swait.ge [sflag:s3], $0x10000  }
0x61: {  	[sflag:s3] =	ssyncset.done $0x0  }
0x62: {  	p1 =	sne.s32 s17, $0x1;
	[sflag:s3] =	ssyncadd.s32 $0xFFFF0000  }
.Ltmp1:
0x63: {  	_ =	swait.ge [sflag:s3], $0x10000;
	(pc) =	sbr.rel @!p1 .LBB2_7-.Ltmp1, $4  }
0x64: {  	[sflag:s3] =	ssyncset.done $0x0  }
0x65: {  	[sflag:s3] =	ssyncadd.s32 $0xFFFF0000  }
0x66: {  	s16 =	simm.s32 $0x780;
	p0 =	por $0x1, $0x1;
	_ =	swait.ge [sflag:s3], $0x10000  }
0x67: {  	s1 =	sadd.s32 $0xFFFFFFFF, s17;
	s0 =	rddreg [dreg:$0x3];
	[sflag:s3] =	ssyncset.done $0x0  }
0x68: {  	s17 =	simm.s32 $0x580  }
.LBB2_4:
0x69: {  	[sflag:s3] =	ssyncadd.s32 $0xFFFF0000  }
0x6a: {  	[tilespmem:s2], [sflag:$0x2] =	stream.linear.gather [hbm4b:s0+s2], $0x10800, $0x38;
	[tilespmem:$0x10800] =	vst v63  }
0x6b: {  	_ =	swait.ge [sflag:s31], $0x10800  }
0x6c: {  	[sflag:s31] =	ssyncset.done $0x0  }
0x6d: {  	[sflag:s31] =	ssyncadd.s32 $0xFFFEF800  }
0x6e: {  	[hbm4b:s4+s2] =	stream.linear.scatter [tilespmem:s16], [sflag:$0x1], $0x10000, $0x38;
	[tilespmem:$0x10800] =	vst v63  }
0x6f: {  	s0 =	rddreg [dreg:$0x4]  }
0x70: {  	[hbm4b:s0+s2] =	stream.linear.scatter [tilespmem:s24], [sflag:$0x1], $0x10000, $0x38;
	[tilespmem:$0x10800] =	vst v63  }
0x71: {  	s15 =	rddreg [dreg:$0x5]  }
0x72: {  	[hbm4b:s15+s2] =	stream.linear.scatter [tilespmem:s23], [sflag:$0x1], $0x10000, $0x38;
	[tilespmem:$0x10800] =	vst v63  }
0x73: {  	s0 =	rddreg [dreg:$0x6]  }
0x74: {  	[hbm4b:s0+s2] =	stream.linear.scatter [tilespmem:s22], [sflag:$0x1], $0x10000, $0x38;
	[tilespmem:$0x10800] =	vst v63  }
0x75: {  	s15 =	rddreg [dreg:$0x7]  }
0x76: {  	[hbm4b:s15+s2] =	stream.linear.scatter [tilespmem:s17], [sflag:$0x1], $0x10000, $0x38;
	[tilespmem:$0x10800] =	vst v63  }
0x77: {  	s0 =	rddreg [dreg:$0x8];
	s15 =	simm.s32 $0x500  }
0x78: {  	[hbm4b:s0+s2] =	stream.linear.scatter [tilespmem:s15], [sflag:$0x1], $0x10000, $0x38;
	[tilespmem:$0x10800] =	vst v63  }
0x79: {  	_ = 	snop  }
0x7a: {  	[hbm4b:s5+s2] =	stream.linear.scatter [tilespmem:s18], [sflag:$0x1], $0x10000, $0x38;
	[tilespmem:$0x10800] =	vst v63  }
0x7b: {  	_ = 	snop  }
0x7c: {  	[hbm4b:s6+s2] =	stream.linear.scatter [tilespmem:s19], [sflag:$0x1], $0x10000, $0x38;
	[tilespmem:$0x10800] =	vst v63  }
0x7d: {  	_ = 	snop  }
0x7e: {  	[hbm4b:s7+s2] =	stream.linear.scatter [tilespmem:s20], [sflag:$0x1], $0x10000, $0x38;
	[tilespmem:$0x10800] =	vst v63  }
0x7f: {  	_ = 	snop  }
0x80: {  	[hbm4b:s8+s2] =	stream.linear.scatter [tilespmem:s21], [sflag:$0x1], $0x10000, $0x38;
	[tilespmem:$0x10800] =	vst v63  }
0x81: {  	_ = 	snop  }
0x82: {  	[hbm4b:s9+s2] =	stream.linear.scatter [tilespmem:s25], [sflag:$0x1], $0x10000, $0x38;
	[tilespmem:$0x10800] =	vst v63  }
0x83: {  	_ = 	snop  }
0x84: {  	[hbm4b:s10+s2] =	stream.linear.scatter [tilespmem:s26], [sflag:$0x1], $0x10000, $0x38;
	[tilespmem:$0x10800] =	vst v63  }
0x85: {  	_ = 	snop  }
0x86: {  	[hbm4b:s11+s2] =	stream.linear.scatter [tilespmem:s28], [sflag:$0x1], $0x10000, $0x38;
	[tilespmem:$0x10800] =	vst v63  }
0x87: {  	_ = 	snop  }
0x88: {  	[hbm4b:s12+s2] =	stream.linear.scatter [tilespmem:s29], [sflag:$0x1], $0x10000, $0x38;
	[tilespmem:$0x10800] =	vst v63  }
0x89: {  	_ = 	snop  }
0x8a: {  	[hbm4b:s13+s2] =	stream.linear.scatter [tilespmem:s30], [sflag:$0x1], $0x10000, $0x38;
	[tilespmem:$0x10800] =	vst v63  }
0x8b: {  	_ = 	snop  }
0x8c: {  	[hbm4b:s14+s2] =	stream.linear.scatter [tilespmem:s2], [sflag:$0x1], $0x10000, $0x38;
	[tilespmem:$0x10800] =	vst v63  }
0x8d: {  	_ =	swait.ge [sflag:s3], $0x10000  }
0x8e: {  	[sflag:s3] =	ssyncset.done $0x0  }
0x8f: {  	[sflag:s3] =	ssyncadd.s32 $0xFFFF0000  }
0x90: {  	_ =	swait.ge [sflag:s3], $0x10000  }
0x91: {  	[sflag:s3] =	ssyncset.done $0x0  }
0x92: {  	[sflag:s3] =	ssyncadd.s32 $0xFFFF0000  }
0x93: {  	_ =	swait.ge [sflag:s3], $0x10000  }
0x94: {  	[sflag:s3] =	ssyncset.done $0x0  }
0x95: {  	[sflag:s3] =	ssyncadd.s32 $0xFFFF0000  }
0x96: {  	_ =	swait.ge [sflag:s3], $0x10000  }
0x97: {  	[sflag:s3] =	ssyncset.done $0x0  }
0x98: {  	[sflag:s3] =	ssyncadd.s32 $0xFFFF0000  }
0x99: {  	_ =	swait.ge [sflag:s3], $0x10000  }
0x9a: {  	[sflag:s3] =	ssyncset.done $0x0  }
0x9b: {  	[sflag:s3] =	ssyncadd.s32 $0xFFFF0000  }
0x9c: {  	_ =	swait.ge [sflag:s3], $0x10000  }
0x9d: {  	[sflag:s3] =	ssyncset.done $0x0  }
0x9e: {  	[sflag:s3] =	ssyncadd.s32 $0xFFFF0000  }
0x9f: {  	_ =	swait.ge [sflag:s3], $0x10000  }
0xa0: {  	[sflag:s3] =	ssyncset.done $0x0  }
0xa1: {  	[sflag:s3] =	ssyncadd.s32 $0xFFFF0000  }
0xa2: {  	_ =	swait.ge [sflag:s3], $0x10000  }
0xa3: {  	[sflag:s3] =	ssyncset.done $0x0  }
0xa4: {  	[sflag:s3] =	ssyncadd.s32 $0xFFFF0000  }
0xa5: {  	_ =	swait.ge [sflag:s3], $0x10000  }
0xa6: {  	[sflag:s3] =	ssyncset.done $0x0  }
0xa7: {  	[sflag:s3] =	ssyncadd.s32 $0xFFFF0000  }
0xa8: {  	_ =	swait.ge [sflag:s3], $0x10000  }
0xa9: {  	[sflag:s3] =	ssyncset.done $0x0  }
0xaa: {  	[sflag:s3] =	ssyncadd.s32 $0xFFFF0000  }
0xab: {  	_ =	swait.ge [sflag:s3], $0x10000  }
0xac: {  	[sflag:s3] =	ssyncset.done $0x0  }
0xad: {  	[sflag:s3] =	ssyncadd.s32 $0xFFFF0000  }
0xae: {  	_ =	swait.ge [sflag:s3], $0x10000  }
0xaf: {  	[sflag:s3] =	ssyncset.done $0x0  }
0xb0: {  	[sflag:s3] =	ssyncadd.s32 $0xFFFF0000  }
0xb1: {  	_ =	swait.ge [sflag:s3], $0x10000  }
0xb2: {  	[sflag:s3] =	ssyncset.done $0x0  }
0xb3: {  	[sflag:s3] =	ssyncadd.s32 $0xFFFF0000  }
0xb4: {  	_ =	swait.ge [sflag:s3], $0x10000  }
0xb5: {  	[sflag:s3] =	ssyncset.done $0x0  }
0xb6: {  	p1 =	sne.s32 s1, $0x1;
	[sflag:s3] =	ssyncadd.s32 $0xFFFF0000  }
.Ltmp2:
0xb7: {  	_ =	swait.ge [sflag:s3], $0x10000;
	(pc) =	sbr.rel @p1 .LBB2_4-.Ltmp2, $4  }
0xb8: {  	[sflag:s3] =	ssyncset.done $0x0  }
0xb9: {  	[sflag:s3] =	ssyncadd.s32 $0xFFFF0000  }
0xba: {  	_ =	swait.ge [sflag:s3], $0x10000  }
0xbb: {  	s1 =	sadd.s32 $0xFFFFFFFF, s1;
	s0 =	rddreg [dreg:$0x3];
	[sflag:s3] =	ssyncset.done $0x0  }
0xbc: {  	s30 =	simm.s32 $0x80  }
0xbd: {  	s29 =	simm.s32 $0x100;
	s28 =	simm.s32 $0x180;
	s26 =	simm.s32 $0x200  }
0xbe: {  	s25 =	simm.s32 $0x280;
	s24 =	simm.s32 $0x700;
	s23 =	simm.s32 $0x680  }
0xbf: {  	s22 =	simm.s32 $0x600;
	s21 =	simm.s32 $0x300;
	s20 =	simm.s32 $0x380  }
0xc0: {  	s19 =	simm.s32 $0x400;
	s18 =	simm.s32 $0x480;
	s17 =	simm.s32 $0x500  }
0xc1: {  	s16 =	simm.s32 $0x580;
	s15 =	stileid.u32;
	s1 =	simm.s32 $0x780  }
.LBB2_6:
0xc2: {  	[sflag:s3] =	ssyncadd.s32 @p0 $0xFFFF0000  }
0xc3: {  	[tilespmem:s2], [sflag:$0x2] =	stream.linear.gather [hbm4b:s0+s2], $0x10800, $0x38;
	[tilespmem:$0x10800] =	vst v63  }
0xc4: {  	_ =	swait.ge [sflag:s31], $0x10800  }
0xc5: {  	[sflag:s31] =	ssyncset.done $0x0  }
0xc6: {  	[sflag:s31] =	ssyncadd.s32 $0xFFFEF800  }
0xc7: {  	[hbm4b:s4+s2] =	stream.linear.scatter [tilespmem:s1], [sflag:$0x1], $0x10000, $0x38;
	[tilespmem:$0x10800] =	vst v63  }
0xc8: {  	s0 =	rddreg [dreg:$0x4]  }
0xc9: {  	[hbm4b:s0+s2] =	stream.linear.scatter [tilespmem:s24], [sflag:$0x1], $0x10000, $0x38;
	[tilespmem:$0x10800] =	vst v63  }
0xca: {  	s31 =	rddreg [dreg:$0x5]  }
0xcb: {  	[hbm4b:s31+s2] =	stream.linear.scatter [tilespmem:s23], [sflag:$0x1], $0x10000, $0x38;
	[tilespmem:$0x10800] =	vst v63  }
0xcc: {  	s4 =	rddreg [dreg:$0x6]  }
0xcd: {  	[hbm4b:s4+s2] =	stream.linear.scatter [tilespmem:s22], [sflag:$0x1], $0x10000, $0x38;
	[tilespmem:$0x10800] =	vst v63  }
0xce: {  	s24 =	rddreg [dreg:$0x7]  }
0xcf: {  	[hbm4b:s24+s2] =	stream.linear.scatter [tilespmem:s16], [sflag:$0x1], $0x10000, $0x38;
	[tilespmem:$0x10800] =	vst v63  }
0xd0: {  	s31 =	rddreg [dreg:$0x8]  }
0xd1: {  	[hbm4b:s31+s2] =	stream.linear.scatter [tilespmem:s17], [sflag:$0x1], $0x10000, $0x38;
	[tilespmem:$0x10800] =	vst v63  }
0xd2: {  	_ = 	snop  }
0xd3: {  	[hbm4b:s5+s2] =	stream.linear.scatter [tilespmem:s18], [sflag:$0x1], $0x10000, $0x38;
	[tilespmem:$0x10800] =	vst v63  }
0xd4: {  	_ = 	snop  }
0xd5: {  	[hbm4b:s6+s2] =	stream.linear.scatter [tilespmem:s19], [sflag:$0x1], $0x10000, $0x38;
	[tilespmem:$0x10800] =	vst v63  }
0xd6: {  	_ = 	snop  }
0xd7: {  	[hbm4b:s7+s2] =	stream.linear.scatter [tilespmem:s20], [sflag:$0x1], $0x10000, $0x38;
	[tilespmem:$0x10800] =	vst v63  }
0xd8: {  	_ = 	snop  }
0xd9: {  	[hbm4b:s8+s2] =	stream.linear.scatter [tilespmem:s21], [sflag:$0x1], $0x10000, $0x38;
	[tilespmem:$0x10800] =	vst v63  }
0xda: {  	_ = 	snop  }
0xdb: {  	[hbm4b:s9+s2] =	stream.linear.scatter [tilespmem:s25], [sflag:$0x1], $0x10000, $0x38;
	[tilespmem:$0x10800] =	vst v63  }
0xdc: {  	_ = 	snop  }
0xdd: {  	[hbm4b:s10+s2] =	stream.linear.scatter [tilespmem:s26], [sflag:$0x1], $0x10000, $0x38;
	[tilespmem:$0x10800] =	vst v63  }
0xde: {  	_ = 	snop  }
0xdf: {  	[hbm4b:s11+s2] =	stream.linear.scatter [tilespmem:s28], [sflag:$0x1], $0x10000, $0x38;
	[tilespmem:$0x10800] =	vst v63  }
0xe0: {  	_ = 	snop  }
0xe1: {  	[hbm4b:s12+s2] =	stream.linear.scatter [tilespmem:s29], [sflag:$0x1], $0x10000, $0x38;
	[tilespmem:$0x10800] =	vst v63  }
0xe2: {  	_ = 	snop  }
0xe3: {  	[hbm4b:s13+s2] =	stream.linear.scatter [tilespmem:s30], [sflag:$0x1], $0x10000, $0x38;
	[tilespmem:$0x10800] =	vst v63  }
0xe4: {  	_ = 	snop  }
0xe5: {  	[hbm4b:s14+s2] =	stream.linear.scatter [tilespmem:s2], [sflag:$0x1], $0x10000, $0x38;
	[tilespmem:$0x10800] =	vst v63  }
0xe6: {  	_ =	swait.ge [sflag:s3], $0x10000  }
0xe7: {  	[sflag:s3] =	ssyncset.done $0x0  }
0xe8: {  	[sflag:s3] =	ssyncadd.s32 $0xFFFF0000  }
0xe9: {  	_ =	swait.ge [sflag:s3], $0x10000  }
0xea: {  	[sflag:s3] =	ssyncset.done $0x0  }
0xeb: {  	[sflag:s3] =	ssyncadd.s32 $0xFFFF0000  }
0xec: {  	_ =	swait.ge [sflag:s3], $0x10000  }
0xed: {  	[sflag:s3] =	ssyncset.done $0x0  }
0xee: {  	[sflag:s3] =	ssyncadd.s32 $0xFFFF0000  }
0xef: {  	_ =	swait.ge [sflag:s3], $0x10000  }
0xf0: {  	[sflag:s3] =	ssyncset.done $0x0  }
0xf1: {  	[sflag:s3] =	ssyncadd.s32 $0xFFFF0000  }
0xf2: {  	_ =	swait.ge [sflag:s3], $0x10000  }
0xf3: {  	[sflag:s3] =	ssyncset.done $0x0  }
0xf4: {  	[sflag:s3] =	ssyncadd.s32 $0xFFFF0000  }
0xf5: {  	_ =	swait.ge [sflag:s3], $0x10000  }
0xf6: {  	[sflag:s3] =	ssyncset.done $0x0  }
0xf7: {  	[sflag:s3] =	ssyncadd.s32 $0xFFFF0000  }
0xf8: {  	_ =	swait.ge [sflag:s3], $0x10000  }
0xf9: {  	[sflag:s3] =	ssyncset.done $0x0  }
0xfa: {  	[sflag:s3] =	ssyncadd.s32 $0xFFFF0000  }
0xfb: {  	_ =	swait.ge [sflag:s3], $0x10000  }
0xfc: {  	[sflag:s3] =	ssyncset.done $0x0  }
0xfd: {  	[sflag:s3] =	ssyncadd.s32 $0xFFFF0000  }
0xfe: {  	_ =	swait.ge [sflag:s3], $0x10000  }
0xff: {  	[sflag:s3] =	ssyncset.done $0x0  }
0x100: {  	[sflag:s3] =	ssyncadd.s32 $0xFFFF0000  }
0x101: {  	_ =	swait.ge [sflag:s3], $0x10000  }
0x102: {  	[sflag:s3] =	ssyncset.done $0x0  }
0x103: {  	[sflag:s3] =	ssyncadd.s32 $0xFFFF0000  }
0x104: {  	_ =	swait.ge [sflag:s3], $0x10000  }
0x105: {  	[sflag:s3] =	ssyncset.done $0x0  }
0x106: {  	[sflag:s3] =	ssyncadd.s32 $0xFFFF0000  }
0x107: {  	_ =	swait.ge [sflag:s3], $0x10000  }
0x108: {  	[sflag:s3] =	ssyncset.done $0x0  }
0x109: {  	[sflag:s3] =	ssyncadd.s32 $0xFFFF0000  }
0x10a: {  	_ =	swait.ge [sflag:s3], $0x10000  }
0x10b: {  	[sflag:s3] =	ssyncset.done $0x0  }
0x10c: {  	[sflag:s3] =	ssyncadd.s32 $0xFFFF0000  }
0x10d: {  	_ =	swait.ge [sflag:s3], $0x10000  }
0x10e: {  	[sflag:s3] =	ssyncset.done $0x0  }
0x10f: {  	[sflag:s3] =	ssyncadd.s32 $0xFFFF0000  }
0x110: {  	_ =	swait.ge [sflag:s3], $0x10000  }
0x111: {  	[sflag:s3] =	ssyncset.done $0x0  }
0x112: {  	[sflag:s3] =	ssyncadd.s32 $0xFFFF0000  }
0x113: {  	_ =	swait.ge [sflag:s3], $0x10000  }
0x114: {  	[sflag:s3] =	ssyncset.done $0x0  }
0x115: {  	[sflag:s3] =	ssyncadd.s32 $0xFFFF0000  }
0x116: {  	_ =	sfence.sel $0x180000  }
0x117: {  	[bflag:$0x0] =	sbarrier.arrive $0xFFFF  }
0x118: {  	_ =	strace $0x90000047  }
0x119: {  	[bflag:$0x2] =	sbarrier.arrive $0xFFFF  }
0x11a: {  	p0 =	sne.s32 s15, $0x0;
	s0 =	rddreg [dreg:$0x2]  }
0x11b: {  	s0 =	sadd.s32 @!p0 $0x100000, s0  }
0x11c: {  	[sflag:s0] =	ssyncadd.tile.s32 @!p0 $0x1;
	_ =	shalt  }
.LBB2_1:
.Ltmp3:
0x11d: {  	s30 =	simm.s32 $0x80;
	s29 =	simm.s32 $0x100;
	(pc) =	sbr.rel .LBB2_6-.Ltmp3, $4  }
0x11e: {  	s28 =	simm.s32 $0x180;
	s26 =	simm.s32 $0x200;
	s25 =	simm.s32 $0x280  }
0x11f: {  	s24 =	simm.s32 $0x700;
	s23 =	simm.s32 $0x680;
	s22 =	simm.s32 $0x600  }
0x120: {  	s21 =	simm.s32 $0x300;
	s20 =	simm.s32 $0x380;
	s19 =	simm.s32 $0x400  }
0x121: {  	s18 =	simm.s32 $0x480;
	s17 =	simm.s32 $0x500;
	s16 =	simm.s32 $0x580  }
.LBB2_7:
0x122: {  	s30 =	simm.s32 $0x80;
	s29 =	simm.s32 $0x100  }
.Ltmp4:
0x123: {  	s28 =	simm.s32 $0x180;
	s26 =	simm.s32 $0x200;
	(pc) =	sbr.rel .LBB2_6-.Ltmp4, $4  }
0x124: {  	s25 =	simm.s32 $0x280;
	s24 =	simm.s32 $0x700;
	s23 =	simm.s32 $0x680  }
0x125: {  	s22 =	simm.s32 $0x600;
	s21 =	simm.s32 $0x300;
	s20 =	simm.s32 $0x380  }
0x126: {  	s19 =	simm.s32 $0x400;
	s18 =	simm.s32 $0x480;
	s17 =	simm.s32 $0x500  }
0x127: {  	s16 =	simm.s32 $0x580;
	s15 =	stileid.u32;
	s1 =	simm.s32 $0x780  }
.Lfunc_end2:
_tile_overlayer_lowered:
.L_overlay_start_2:
0x128: {  	(tag) =	ssettag $0x2  }
0x129: {  	s0 =	rddreg [dreg:$0x0];
	s2 =	stileid.u32  }
0x12a: {  	s1 =	rddreg [dreg:$0x1];
	p0 =	sne.s32 s2, $0x0  }
0x12b: {  	s3 =	rddreg [dreg:$0x2];
	[bflag:$0x3] =	sbarrier.arrive $0xFFFF;
	s2 =	simm.s32 @!p0 $0x1C02  }
0x12c: {  	[timem:s3], [sflag:s2] =	dma.local @!p0 [hbm:s0], s1  }
0x12d: {  	s0 =	simm.s32 @!p0 $0x2  }
0x12e: {  	_ =	swait.ge @!p0 [sflag:s0], s1  }
0x12f: {  	s1 =	ssub.s32 @!p0 $0x0, s1;
	[sflag:s0] =	ssyncset.done @!p0 $0x0  }
0x130: {  	[sflag:s0] =	ssyncadd.s32 @!p0 s1  }
0x131: {  	[bflag:$0x3] =	sbarrier.arrive $0xFFFF  }
0x132: {  	_ =	shalt  }

</sc_bundles>
